<compile_context>
chip_gen: v7x
topology: tpu7x:2x2x1
jax: 0.10.2.dev20260603
libtpu: 0.0.44.dev20260713+nightly
codegen_flags: <defaults>
</compile_context>

<pallas_src>
import functools

import jax
import jax.numpy as jnp
from jax import lax
from jax.experimental import pallas as pl
from jax.experimental.pallas import tpu as pltpu
from jax.experimental.pallas import tpu_sc as plsc

_B, _L = 4096, 50
_N = _B * _L
_D = 64
_H = 256
_C = 1000
_EPS = 1e-5

_NW = 32
_PER_W = _N // _NW
_CH = 128
_NCH = _PER_W // _CH

_RB = 4096
_NSTEP = _N // _RB

_BB = 2048
_NB = _B // _BB


def _sc_gather(tok, word, emb1, emb2):
    mesh = plsc.VectorSubcoreMesh(core_axis_name="c", subcore_axis_name="s")

    @functools.partial(
        pl.kernel, mesh=mesh,
        compiler_params=pltpu.CompilerParams(use_tc_tiling_on_sc=False),
        out_type=jax.ShapeDtypeStruct((_N, 2 * _D), jnp.float32),
        scratch_types=[
            pltpu.VMEM((_NCH, _CH), jnp.int32),
            pltpu.VMEM((_NCH, _CH), jnp.int32),
            pltpu.VMEM((2, _CH, _D), jnp.float32),
            pltpu.VMEM((2, _CH, _D), jnp.float32),
            pltpu.SemaphoreType.DMA,
            pltpu.SemaphoreType.DMA,
            pltpu.SemaphoreType.DMA,
            pltpu.SemaphoreType.DMA,
        ],
    )
    def k(tok_hbm, word_hbm, e1_hbm, e2_hbm, out_hbm,
          idx1_v, idx2_v, buf1, buf2, s1a, s1b, s2a, s2b):
        wid = lax.axis_index("s") * 2 + lax.axis_index("c")
        base = wid * _PER_W
        pltpu.sync_copy(tok_hbm.at[wid], idx1_v)
        pltpu.sync_copy(word_hbm.at[wid], idx2_v)

        def start(j, p, s1, s2):
            pltpu.async_copy(e1_hbm.at[idx1_v.at[j]], buf1.at[p], s1)
            pltpu.async_copy(e2_hbm.at[idx2_v.at[j]], buf2.at[p], s2)

        def wait_write(j, p, s1, s2):
            pltpu.make_async_copy(e1_hbm.at[idx1_v.at[j]], buf1.at[p], s1).wait()
            pltpu.make_async_copy(e2_hbm.at[idx2_v.at[j]], buf2.at[p], s2).wait()
            r0 = base + j * _CH
            pltpu.sync_copy(buf1.at[p], out_hbm.at[pl.ds(r0, _CH), pl.ds(0, _D)])
            pltpu.sync_copy(buf2.at[p], out_hbm.at[pl.ds(r0, _CH), pl.ds(_D, _D)])

        start(0, 0, s1a, s2a)

        def body(k2, carry):
            j0 = 2 * k2
            start(j0 + 1, 1, s1b, s2b)
            wait_write(j0, 0, s1a, s2a)

            @pl.when(j0 + 2 < _NCH)
            def _():
                start(j0 + 2, 0, s1a, s2a)

            wait_write(j0 + 1, 1, s1b, s2b)
            return carry

        lax.fori_loop(0, _NCH // 2, body, 0)

    return k(tok, word, emb1, emb2)


def _stats(flat, w1t, gamma, beta):

    def kern(x_ref, w_ref, g_ref, be_ref, out_ref, m_acc, s_acc):
        i = pl.program_id(0)

        @pl.when(i == 0)
        def _init():
            m_acc[...] = jnp.zeros_like(m_acc)
            s_acc[...] = jnp.zeros_like(s_acc)

        x = x_ref[...]
        m_acc[...] += lax.dot_general(
            x, x, (((0,), (0,)), ((), ())), preferred_element_type=jnp.float32)
        s_acc[...] += jnp.sum(x, axis=0, keepdims=True)

        @pl.when(i == _NSTEP - 1)
        def _fin():
            w = w_ref[...]
            m = jnp.dot(s_acc[...], w,
                        preferred_element_type=jnp.float32) / _N
            u = jnp.dot(m_acc[...], w,
                        preferred_element_type=jnp.float32)
            t = jnp.sum(w * u, axis=0, keepdims=True) / _N
            var = t - m * m
            scale = g_ref[...] * lax.rsqrt(var + _EPS)
            shift = be_ref[...] - m * scale
            out_ref[0:1, :] = scale
            out_ref[1:2, :] = shift

    return pl.pallas_call(
        kern,
        grid=(_NSTEP,),
        in_specs=[
            pl.BlockSpec((_RB, 2 * _D), lambda i: (i, 0)),
            pl.BlockSpec((2 * _D, _H), lambda i: (0, 0)),
            pl.BlockSpec((1, _H), lambda i: (0, 0)),
            pl.BlockSpec((1, _H), lambda i: (0, 0)),
        ],
        out_specs=pl.BlockSpec((2, _H), lambda i: (0, 0)),
        out_shape=jax.ShapeDtypeStruct((2, _H), jnp.float32),
        scratch_shapes=[
            pltpu.VMEM((2 * _D, 2 * _D), jnp.float32),
            pltpu.VMEM((1, 2 * _D), jnp.float32),
        ],
    )(flat, w1t, gamma, beta)


def _main(flat, mask, ss, w1t, wft, bfr):

    def kern(x_ref, m_ref, ss_ref, w_ref, wf_ref, bf_ref, o_ref, acc):
        l = pl.program_id(1)
        ws = w_ref[...] * ss_ref[0:1, :]
        y = jnp.dot(x_ref[...], ws, preferred_element_type=jnp.float32)
        t = jnp.maximum(y + ss_ref[1:2, :], 0.0)

        @pl.when(l == 0)
        def _first():
            acc[...] = t

        @pl.when(l > 0)
        def _rest():
            acc[...] += t

        @pl.when(l == _L - 1)
        def _fin():
            denom = jnp.sum(m_ref[...], axis=1, keepdims=True)
            pooled = acc[...] / denom
            o_ref[...] = jnp.dot(pooled, wf_ref[...],
                                 preferred_element_type=jnp.float32) + bf_ref[...]

    return pl.pallas_call(
        kern,
        grid=(_NB, _L),
        in_specs=[
            pl.BlockSpec((_BB, 2 * _D), lambda i, l: (l * _NB + i, 0)),
            pl.BlockSpec((_BB, _L), lambda i, l: (i, 0)),
            pl.BlockSpec((2, _H), lambda i, l: (0, 0)),
            pl.BlockSpec((2 * _D, _H), lambda i, l: (0, 0)),
            pl.BlockSpec((_H, _C), lambda i, l: (0, 0)),
            pl.BlockSpec((1, _C), lambda i, l: (0, 0)),
        ],
        out_specs=pl.BlockSpec((_BB, _C), lambda i, l: (i, 0)),
        out_shape=jax.ShapeDtypeStruct((_B, _C), jnp.float32),
        scratch_shapes=[pltpu.VMEM((_BB, _H), jnp.float32)],
    )(flat, mask, ss, w1t, wft, bfr)


def kernel(token_ids, word_ids, attention_mask, emb1, emb2, W1, b1, gamma,
           beta, Wf, bf):
    del b1
    tok = token_ids.T.reshape(_NW, _NCH, _CH).astype(jnp.int32)
    word = word_ids.T.reshape(_NW, _NCH, _CH).astype(jnp.int32)
    flat = _sc_gather(tok, word, emb1, emb2)
    w1t = W1.T
    ss = _stats(flat, w1t, gamma.reshape(1, _H), beta.reshape(1, _H))
    logits = _main(flat, attention_mask, ss, w1t, Wf.T, bf.reshape(1, _C))
    return logits

# --- scband reference (transcript-rebuilt; emitter-appended) ---
"""Pipeline reference for scband-fasttext-25409026523174 (READ-ONLY COPY).

The authoritative reference and input builder live on the scoring server;
editing this copy changes nothing except your own understanding.
"""

import jax, jax.numpy as jnp
import numpy as np

B, L = 4096, 50
V1, V2 = 100000, 100000
D1, D2 = 64, 64
H, C = 256, 1000
EPS = 1e-5


def setup_inputs(seed: int = 0) -> dict:
    key = jax.random.key(seed)
    ks = jax.random.split(key, 8)
    token_ids = jax.random.randint(ks[0], (B, L), 0, V1, dtype=jnp.int64 if jax.config.jax_enable_x64 else jnp.int32)
    word_ids = jax.random.randint(ks[1], (B, L), 0, V2, dtype=jnp.int64 if jax.config.jax_enable_x64 else jnp.int32)
    attention_mask = jnp.ones((B, L), dtype=jnp.float32)
    emb1 = jax.random.normal(ks[2], (V1, D1), jnp.float32) * 0.02
    emb2 = jax.random.normal(ks[3], (V2, D2), jnp.float32) * 0.02
    W1 = jax.random.normal(ks[4], (H, D1 + D2), jnp.float32) * 0.05
    b1 = jnp.zeros((H,), jnp.float32)
    gamma = jnp.ones((H,), jnp.float32)
    beta = jnp.zeros((H,), jnp.float32)
    Wf = jax.random.normal(ks[5], (C, H), jnp.float32) * 0.05
    bf = jnp.zeros((C,), jnp.float32)
    return {"token_ids": token_ids, "word_ids": word_ids, "attention_mask": attention_mask,
            "emb1": emb1, "emb2": emb2, "W1": W1, "b1": b1, "gamma": gamma, "beta": beta,
            "Wf": Wf, "bf": bf}


def reference(token_ids, word_ids, attention_mask, emb1, emb2, W1, b1, gamma, beta, Wf, bf):
    # embedding lookups (SparseCore gathers)
    x1 = jnp.take(emb1, token_ids, axis=0)          # [B, L, D1]
    x2 = jnp.take(emb2, word_ids, axis=0)           # [B, L, D2]
    x = jnp.concatenate([x1, x2], axis=-1)          # [B, L, D1+D2]
    flat = x.reshape(-1, x.shape[-1])                # [B*L, D]
    # Linear
    h = flat @ W1.T + b1                             # [B*L, H]
    # BatchNorm1d (training mode: batch statistics, biased variance)
    mu = jnp.mean(h, axis=0)
    var = jnp.mean((h - mu) ** 2, axis=0)
    h = (h - mu) / jnp.sqrt(var + EPS) * gamma + beta
    # ReLU
    h = jnp.maximum(h, 0.0)
    h = h.reshape(x.shape[0], x.shape[1], -1)        # [B, L, H]
    # masked mean pooling (sum over seq / mask count)
    pooled = jnp.sum(h, axis=1) / jnp.sum(attention_mask, axis=1)[:, None]
    logits = pooled @ Wf.T + bf                      # [B, C]
    return logits

if __name__ == "__main__":
    import jax
    _d = setup_inputs()
    print(jax.jit(kernel)(*tuple(_d.values())))

</pallas_src>

<mosaic_0001>
#map = affine_map<(d0, d1) -> (0, 0, 0)>
#map1 = affine_map<(d0, d1) -> (0, 0)>
module attributes {stable_mosaic.version = 14 : i64} {
  func.func @k(%arg0: i32, %arg1: i32, %arg2: memref<32x50x128xi32, #tpu.memory_space<hbm>>, %arg3: memref<32x50x128xi32, #tpu.memory_space<hbm>>, %arg4: memref<100000x64xf32, #tpu.memory_space<hbm>>, %arg5: memref<100000x64xf32, #tpu.memory_space<hbm>>, %arg6: memref<204800x128xf32, #tpu.memory_space<hbm>>, %arg7: memref<50x128xi32, #tpu.memory_space<vmem>>, %arg8: memref<50x128xi32, #tpu.memory_space<vmem>>, %arg9: memref<2x128x64xf32, #tpu.memory_space<vmem>>, %arg10: memref<2x128x64xf32, #tpu.memory_space<vmem>>, %arg11: memref<!tpu.dma_semaphore, #tpu.memory_space<semaphore_mem>>, %arg12: memref<!tpu.dma_semaphore, #tpu.memory_space<semaphore_mem>>, %arg13: memref<!tpu.dma_semaphore, #tpu.memory_space<semaphore_mem>>, %arg14: memref<!tpu.dma_semaphore, #tpu.memory_space<semaphore_mem>>) attributes {dimension_semantics = [#tpu.dimension_semantics<core_parallel>, #tpu.dimension_semantics<subcore_parallel>], iteration_bounds = array<i64: 2, 16>, scalar_prefetch = 0 : i64, scratch_operands = 8 : i64, tpu.core_type = #tpu.core_type<sc_vector_subcore>, window_params = [{transform_indices = #map}, {transform_indices = #map}, {transform_indices = #map1}, {transform_indices = #map1}, {transform_indices = #map1}]} {
    %mul3A = arith.constant 2 : i32
    %mul3A_0 = arith.muli %arg1, %mul3A : i32
    %add3A = arith.addi %mul3A_0, %arg0 : i32
    %mul3A_1 = arith.constant 6400 : i32
    %mul3A_2 = arith.muli %add3A, %mul3A_1 : i32
    "tpu.region"() ({
      %run_scoped3A = tpu.sem_alloc : memref<!tpu.dma_semaphore, #tpu.memory_space<semaphore_mem>>
      %dma_start3A_31 = arith.constant 0 : i32
      %dma_start3A_32 = arith.constant 0 : i32
      %dma_start3A_33 = tpu.memref_slice %arg2[%add3A, %dma_start3A_31, %dma_start3A_32] : memref<32x50x128xi32, #tpu.memory_space<hbm>> -> memref<1x50x128xi32, #tpu.memory_space<hbm>>
      %dma_start3A_34 = tpu.memref_squeeze %dma_start3A_33 : memref<1x50x128xi32, #tpu.memory_space<hbm>> -> memref<50x128xi32, #tpu.memory_space<hbm>>
      %dma_start3A_35 = arith.constant 0 : i32
      %dma_start3A_36 = arith.constant 0 : i32
      %dma_start3A_37 = tpu.memref_slice %arg2[%add3A, %dma_start3A_35, %dma_start3A_36] : memref<32x50x128xi32, #tpu.memory_space<hbm>> -> memref<1x50x128xi32, #tpu.memory_space<hbm>>
      %dma_start3A_38 = tpu.memref_squeeze %dma_start3A_37 : memref<1x50x128xi32, #tpu.memory_space<hbm>> -> memref<50x128xi32, #tpu.memory_space<hbm>>
      tpu.enqueue_dma source(%dma_start3A_38 : memref<50x128xi32, #tpu.memory_space<hbm>>) target(%arg7 : memref<50x128xi32, #tpu.memory_space<vmem>>) target_semaphore(%run_scoped3A : memref<!tpu.dma_semaphore, #tpu.memory_space<semaphore_mem>>)
      %dma_wait3A = arith.constant 0 : i32
      %dma_wait3A_39 = arith.constant 0 : i32
      %dma_wait3A_40 = tpu.memref_slice %arg2[%add3A, %dma_wait3A, %dma_wait3A_39] : memref<32x50x128xi32, #tpu.memory_space<hbm>> -> memref<1x50x128xi32, #tpu.memory_space<hbm>>
      %dma_wait3A_41 = tpu.memref_squeeze %dma_wait3A_40 : memref<1x50x128xi32, #tpu.memory_space<hbm>> -> memref<50x128xi32, #tpu.memory_space<hbm>>
      %dma_wait3A_42 = arith.constant 0 : i32
      %dma_wait3A_43 = arith.constant 0 : i32
      %dma_wait3A_44 = tpu.memref_slice %arg2[%add3A, %dma_wait3A_42, %dma_wait3A_43] : memref<32x50x128xi32, #tpu.memory_space<hbm>> -> memref<1x50x128xi32, #tpu.memory_space<hbm>>
      %dma_wait3A_45 = tpu.memref_squeeze %dma_wait3A_44 : memref<1x50x128xi32, #tpu.memory_space<hbm>> -> memref<50x128xi32, #tpu.memory_space<hbm>>
      tpu.wait_dma2 semaphore(%run_scoped3A : memref<!tpu.dma_semaphore, #tpu.memory_space<semaphore_mem>>) src(%dma_wait3A_45 : memref<50x128xi32, #tpu.memory_space<hbm>>) dst(%arg7 : memref<50x128xi32, #tpu.memory_space<vmem>>)
      tpu.yield
    }) : () -> ()
    "tpu.region"() ({
      %run_scoped3A = tpu.sem_alloc : memref<!tpu.dma_semaphore, #tpu.memory_space<semaphore_mem>>
      %dma_start3A_31 = arith.constant 0 : i32
      %dma_start3A_32 = arith.constant 0 : i32
      %dma_start3A_33 = tpu.memref_slice %arg3[%add3A, %dma_start3A_31, %dma_start3A_32] : memref<32x50x128xi32, #tpu.memory_space<hbm>> -> memref<1x50x128xi32, #tpu.memory_space<hbm>>
      %dma_start3A_34 = tpu.memref_squeeze %dma_start3A_33 : memref<1x50x128xi32, #tpu.memory_space<hbm>> -> memref<50x128xi32, #tpu.memory_space<hbm>>
      %dma_start3A_35 = arith.constant 0 : i32
      %dma_start3A_36 = arith.constant 0 : i32
      %dma_start3A_37 = tpu.memref_slice %arg3[%add3A, %dma_start3A_35, %dma_start3A_36] : memref<32x50x128xi32, #tpu.memory_space<hbm>> -> memref<1x50x128xi32, #tpu.memory_space<hbm>>
      %dma_start3A_38 = tpu.memref_squeeze %dma_start3A_37 : memref<1x50x128xi32, #tpu.memory_space<hbm>> -> memref<50x128xi32, #tpu.memory_space<hbm>>
      tpu.enqueue_dma source(%dma_start3A_38 : memref<50x128xi32, #tpu.memory_space<hbm>>) target(%arg8 : memref<50x128xi32, #tpu.memory_space<vmem>>) target_semaphore(%run_scoped3A : memref<!tpu.dma_semaphore, #tpu.memory_space<semaphore_mem>>)
      %dma_wait3A = arith.constant 0 : i32
      %dma_wait3A_39 = arith.constant 0 : i32
      %dma_wait3A_40 = tpu.memref_slice %arg3[%add3A, %dma_wait3A, %dma_wait3A_39] : memref<32x50x128xi32, #tpu.memory_space<hbm>> -> memref<1x50x128xi32, #tpu.memory_space<hbm>>
      %dma_wait3A_41 = tpu.memref_squeeze %dma_wait3A_40 : memref<1x50x128xi32, #tpu.memory_space<hbm>> -> memref<50x128xi32, #tpu.memory_space<hbm>>
      %dma_wait3A_42 = arith.constant 0 : i32
      %dma_wait3A_43 = arith.constant 0 : i32
      %dma_wait3A_44 = tpu.memref_slice %arg3[%add3A, %dma_wait3A_42, %dma_wait3A_43] : memref<32x50x128xi32, #tpu.memory_space<hbm>> -> memref<1x50x128xi32, #tpu.memory_space<hbm>>
      %dma_wait3A_45 = tpu.memref_squeeze %dma_wait3A_44 : memref<1x50x128xi32, #tpu.memory_space<hbm>> -> memref<50x128xi32, #tpu.memory_space<hbm>>
      tpu.wait_dma2 semaphore(%run_scoped3A : memref<!tpu.dma_semaphore, #tpu.memory_space<semaphore_mem>>) src(%dma_wait3A_45 : memref<50x128xi32, #tpu.memory_space<hbm>>) dst(%arg8 : memref<50x128xi32, #tpu.memory_space<vmem>>)
      tpu.yield
    }) : () -> ()
    %dma_start3A = arith.constant 0 : i32
    %dma_start3A_3 = arith.constant 0 : i32
    %dma_start3A_4 = arith.constant 0 : i32
    %dma_start3A_5 = arith.constant 0 : i32
    %dma_start3A_6 = tpu.memref_slice %arg9[%dma_start3A_3, %dma_start3A_4, %dma_start3A_5] : memref<2x128x64xf32, #tpu.memory_space<vmem>> -> memref<1x128x64xf32, #tpu.memory_space<vmem>>
    %dma_start3A_7 = tpu.memref_squeeze %dma_start3A_6 : memref<1x128x64xf32, #tpu.memory_space<vmem>> -> memref<128x64xf32, #tpu.memory_space<vmem>>
    %dma_start3A_8 = arith.constant 0 : i32
    %dma_start3A_9 = tpu.memref_slice %arg7[%dma_start3A, %dma_start3A_8] : memref<50x128xi32, #tpu.memory_space<vmem>> -> memref<1x128xi32, #tpu.memory_space<vmem>>
    %dma_start3A_10 = tpu.memref_squeeze %dma_start3A_9 : memref<1x128xi32, #tpu.memory_space<vmem>> -> memref<128xi32, #tpu.memory_space<vmem>>
    %dma_start3A_11 = arith.constant 0 : i32
    %dma_start3A_12 = arith.constant 0 : i32
    %dma_start3A_13 = tpu.memref_slice %arg4[%dma_start3A_11, %dma_start3A_12] : memref<100000x64xf32, #tpu.memory_space<hbm>> -> memref<100000x64xf32, #tpu.memory_space<hbm>>
    tpu.enqueue_indirect_dma source(%dma_start3A_13 : memref<100000x64xf32, #tpu.memory_space<hbm>>) target(%dma_start3A_7 : memref<128x64xf32, #tpu.memory_space<vmem>>) offsets(%dma_start3A_10 : memref<128xi32, #tpu.memory_space<vmem>>) semaphore(%arg11 : memref<!tpu.dma_semaphore, #tpu.memory_space<semaphore_mem>>)
    %dma_start3A_14 = arith.constant 0 : i32
    %dma_start3A_15 = arith.constant 0 : i32
    %dma_start3A_16 = arith.constant 0 : i32
    %dma_start3A_17 = arith.constant 0 : i32
    %dma_start3A_18 = tpu.memref_slice %arg10[%dma_start3A_15, %dma_start3A_16, %dma_start3A_17] : memref<2x128x64xf32, #tpu.memory_space<vmem>> -> memref<1x128x64xf32, #tpu.memory_space<vmem>>
    %dma_start3A_19 = tpu.memref_squeeze %dma_start3A_18 : memref<1x128x64xf32, #tpu.memory_space<vmem>> -> memref<128x64xf32, #tpu.memory_space<vmem>>
    %dma_start3A_20 = arith.constant 0 : i32
    %dma_start3A_21 = tpu.memref_slice %arg8[%dma_start3A_14, %dma_start3A_20] : memref<50x128xi32, #tpu.memory_space<vmem>> -> memref<1x128xi32, #tpu.memory_space<vmem>>
    %dma_start3A_22 = tpu.memref_squeeze %dma_start3A_21 : memref<1x128xi32, #tpu.memory_space<vmem>> -> memref<128xi32, #tpu.memory_space<vmem>>
    %dma_start3A_23 = arith.constant 0 : i32
    %dma_start3A_24 = arith.constant 0 : i32
    %dma_start3A_25 = tpu.memref_slice %arg5[%dma_start3A_23, %dma_start3A_24] : memref<100000x64xf32, #tpu.memory_space<hbm>> -> memref<100000x64xf32, #tpu.memory_space<hbm>>
    tpu.enqueue_indirect_dma source(%dma_start3A_25 : memref<100000x64xf32, #tpu.memory_space<hbm>>) target(%dma_start3A_19 : memref<128x64xf32, #tpu.memory_space<vmem>>) offsets(%dma_start3A_22 : memref<128xi32, #tpu.memory_space<vmem>>) semaphore(%arg13 : memref<!tpu.dma_semaphore, #tpu.memory_space<semaphore_mem>>)
    %scan3A = arith.constant 0 : i32
    %scan3A_26 = arith.constant 0 : i32
    %scan3A_27 = arith.constant 25 : i32
    %scan3A_28 = arith.addi %scan3A_26, %scan3A_27 : i32
    %scan3A_29 = arith.constant 1 : i32
    scf.for %scan3A_31 = %scan3A_26 to %scan3A_28 step %scan3A_29  : i32 {
      %mul3A_32 = arith.constant 2 : i32
      %mul3A_33 = arith.muli %mul3A_32, %scan3A_31 : i32
      %add3A_34 = arith.constant 1 : i32
      %add3A_35 = arith.addi %mul3A_33, %add3A_34 : i32
      %dma_start3A_36 = arith.constant 1 : i32
      %dma_start3A_37 = arith.constant 0 : i32
      %dma_start3A_38 = arith.constant 0 : i32
      %dma_start3A_39 = tpu.memref_slice %arg9[%dma_start3A_36, %dma_start3A_37, %dma_start3A_38] : memref<2x128x64xf32, #tpu.memory_space<vmem>> -> memref<1x128x64xf32, #tpu.memory_space<vmem>>
      %dma_start3A_40 = tpu.memref_squeeze %dma_start3A_39 : memref<1x128x64xf32, #tpu.memory_space<vmem>> -> memref<128x64xf32, #tpu.memory_space<vmem>>
      %dma_start3A_41 = arith.constant 0 : i32
      %dma_start3A_42 = tpu.memref_slice %arg7[%add3A_35, %dma_start3A_41] : memref<50x128xi32, #tpu.memory_space<vmem>> -> memref<1x128xi32, #tpu.memory_space<vmem>>
      %dma_start3A_43 = tpu.memref_squeeze %dma_start3A_42 : memref<1x128xi32, #tpu.memory_space<vmem>> -> memref<128xi32, #tpu.memory_space<vmem>>
      %dma_start3A_44 = arith.constant 0 : i32
      %dma_start3A_45 = arith.constant 0 : i32
      %dma_start3A_46 = tpu.memref_slice %arg4[%dma_start3A_44, %dma_start3A_45] : memref<100000x64xf32, #tpu.memory_space<hbm>> -> memref<100000x64xf32, #tpu.memory_space<hbm>>
      tpu.enqueue_indirect_dma source(%dma_start3A_46 : memref<100000x64xf32, #tpu.memory_space<hbm>>) target(%dma_start3A_40 : memref<128x64xf32, #tpu.memory_space<vmem>>) offsets(%dma_start3A_43 : memref<128xi32, #tpu.memory_space<vmem>>) semaphore(%arg12 : memref<!tpu.dma_semaphore, #tpu.memory_space<semaphore_mem>>)
      %dma_start3A_47 = arith.constant 1 : i32
      %dma_start3A_48 = arith.constant 0 : i32
      %dma_start3A_49 = arith.constant 0 : i32
      %dma_start3A_50 = tpu.memref_slice %arg10[%dma_start3A_47, %dma_start3A_48, %dma_start3A_49] : memref<2x128x64xf32, #tpu.memory_space<vmem>> -> memref<1x128x64xf32, #tpu.memory_space<vmem>>
      %dma_start3A_51 = tpu.memref_squeeze %dma_start3A_50 : memref<1x128x64xf32, #tpu.memory_space<vmem>> -> memref<128x64xf32, #tpu.memory_space<vmem>>
      %dma_start3A_52 = arith.constant 0 : i32
      %dma_start3A_53 = tpu.memref_slice %arg8[%add3A_35, %dma_start3A_52] : memref<50x128xi32, #tpu.memory_space<vmem>> -> memref<1x128xi32, #tpu.memory_space<vmem>>
      %dma_start3A_54 = tpu.memref_squeeze %dma_start3A_53 : memref<1x128xi32, #tpu.memory_space<vmem>> -> memref<128xi32, #tpu.memory_space<vmem>>
      %dma_start3A_55 = arith.constant 0 : i32
      %dma_start3A_56 = arith.constant 0 : i32
      %dma_start3A_57 = tpu.memref_slice %arg5[%dma_start3A_55, %dma_start3A_56] : memref<100000x64xf32, #tpu.memory_space<hbm>> -> memref<100000x64xf32, #tpu.memory_space<hbm>>
      tpu.enqueue_indirect_dma source(%dma_start3A_57 : memref<100000x64xf32, #tpu.memory_space<hbm>>) target(%dma_start3A_51 : memref<128x64xf32, #tpu.memory_space<vmem>>) offsets(%dma_start3A_54 : memref<128xi32, #tpu.memory_space<vmem>>) semaphore(%arg14 : memref<!tpu.dma_semaphore, #tpu.memory_space<semaphore_mem>>)
      %dma_wait3A = arith.constant 0 : i32
      %dma_wait3A_58 = arith.constant 0 : i32
      %dma_wait3A_59 = arith.constant 0 : i32
      %dma_wait3A_60 = tpu.memref_slice %arg9[%dma_wait3A, %dma_wait3A_58, %dma_wait3A_59] : memref<2x128x64xf32, #tpu.memory_space<vmem>> -> memref<1x128x64xf32, #tpu.memory_space<vmem>>
      %dma_wait3A_61 = tpu.memref_squeeze %dma_wait3A_60 : memref<1x128x64xf32, #tpu.memory_space<vmem>> -> memref<128x64xf32, #tpu.memory_space<vmem>>
      %dma_wait3A_62 = arith.constant 0 : i32
      %dma_wait3A_63 = tpu.memref_slice %arg7[%mul3A_33, %dma_wait3A_62] : memref<50x128xi32, #tpu.memory_space<vmem>> -> memref<1x128xi32, #tpu.memory_space<vmem>>
      %dma_wait3A_64 = tpu.memref_squeeze %dma_wait3A_63 : memref<1x128xi32, #tpu.memory_space<vmem>> -> memref<128xi32, #tpu.memory_space<vmem>>
      %dma_wait3A_65 = arith.constant 0 : i32
      %dma_wait3A_66 = arith.constant 0 : i32
      %dma_wait3A_67 = tpu.memref_slice %arg4[%dma_wait3A_65, %dma_wait3A_66] : memref<100000x64xf32, #tpu.memory_space<hbm>> -> memref<100000x64xf32, #tpu.memory_space<hbm>>
      tpu.wait_indirect_dma semaphore(%arg11 : memref<!tpu.dma_semaphore, #tpu.memory_space<semaphore_mem>>) src(%dma_wait3A_67 : memref<100000x64xf32, #tpu.memory_space<hbm>>) dst(%dma_wait3A_61 : memref<128x64xf32, #tpu.memory_space<vmem>>)
      %dma_wait3A_68 = arith.constant 0 : i32
      %dma_wait3A_69 = arith.constant 0 : i32
      %dma_wait3A_70 = arith.constant 0 : i32
      %dma_wait3A_71 = tpu.memref_slice %arg10[%dma_wait3A_68, %dma_wait3A_69, %dma_wait3A_70] : memref<2x128x64xf32, #tpu.memory_space<vmem>> -> memref<1x128x64xf32, #tpu.memory_space<vmem>>
      %dma_wait3A_72 = tpu.memref_squeeze %dma_wait3A_71 : memref<1x128x64xf32, #tpu.memory_space<vmem>> -> memref<128x64xf32, #tpu.memory_space<vmem>>
      %dma_wait3A_73 = arith.constant 0 : i32
      %dma_wait3A_74 = tpu.memref_slice %arg8[%mul3A_33, %dma_wait3A_73] : memref<50x128xi32, #tpu.memory_space<vmem>> -> memref<1x128xi32, #tpu.memory_space<vmem>>
      %dma_wait3A_75 = tpu.memref_squeeze %dma_wait3A_74 : memref<1x128xi32, #tpu.memory_space<vmem>> -> memref<128xi32, #tpu.memory_space<vmem>>
      %dma_wait3A_76 = arith.constant 0 : i32
      %dma_wait3A_77 = arith.constant 0 : i32
      %dma_wait3A_78 = tpu.memref_slice %arg5[%dma_wait3A_76, %dma_wait3A_77] : memref<100000x64xf32, #tpu.memory_space<hbm>> -> memref<100000x64xf32, #tpu.memory_space<hbm>>
      tpu.wait_indirect_dma semaphore(%arg13 : memref<!tpu.dma_semaphore, #tpu.memory_space<semaphore_mem>>) src(%dma_wait3A_78 : memref<100000x64xf32, #tpu.memory_space<hbm>>) dst(%dma_wait3A_72 : memref<128x64xf32, #tpu.memory_space<vmem>>)
      %mul3A_79 = arith.constant 128 : i32
      %mul3A_80 = arith.muli %mul3A_33, %mul3A_79 : i32
      %add3A_81 = arith.addi %mul3A_2, %mul3A_80 : i32
      %run_scoped3A = arith.constant 0 : i32
      "tpu.region"() ({
        %run_scoped3A_116 = tpu.sem_alloc : memref<!tpu.dma_semaphore, #tpu.memory_space<semaphore_mem>>
        %dma_start3A_117 = arith.constant 0 : i32
        %dma_start3A_118 = arith.constant 0 : i32
        %dma_start3A_119 = tpu.memref_slice %arg9[%run_scoped3A, %dma_start3A_117, %dma_start3A_118] : memref<2x128x64xf32, #tpu.memory_space<vmem>> -> memref<1x128x64xf32, #tpu.memory_space<vmem>>
        %dma_start3A_120 = tpu.memref_squeeze %dma_start3A_119 : memref<1x128x64xf32, #tpu.memory_space<vmem>> -> memref<128x64xf32, #tpu.memory_space<vmem>>
        %dma_start3A_121 = arith.constant 0 : i32
        %dma_start3A_122 = tpu.memref_slice %arg6[%add3A_81, %dma_start3A_121] : memref<204800x128xf32, #tpu.memory_space<hbm>> -> memref<128x64xf32, #tpu.memory_space<hbm>>
        %dma_start3A_123 = arith.constant 0 : i32
        %dma_start3A_124 = tpu.memref_slice %arg6[%add3A_81, %dma_start3A_123] : memref<204800x128xf32, #tpu.memory_space<hbm>> -> memref<128x64xf32, #tpu.memory_space<hbm>>
        %dma_start3A_125 = arith.constant 0 : i32
        %dma_start3A_126 = arith.constant 0 : i32
        %dma_start3A_127 = tpu.memref_slice %arg9[%run_scoped3A, %dma_start3A_125, %dma_start3A_126] : memref<2x128x64xf32, #tpu.memory_space<vmem>> -> memref<1x128x64xf32, #tpu.memory_space<vmem>>
        %dma_start3A_128 = tpu.memref_squeeze %dma_start3A_127 : memref<1x128x64xf32, #tpu.memory_space<vmem>> -> memref<128x64xf32, #tpu.memory_space<vmem>>
        tpu.enqueue_dma source(%dma_start3A_128 : memref<128x64xf32, #tpu.memory_space<vmem>>) target(%dma_start3A_124 : memref<128x64xf32, #tpu.memory_space<hbm>>) target_semaphore(%run_scoped3A_116 : memref<!tpu.dma_semaphore, #tpu.memory_space<semaphore_mem>>)
        %dma_wait3A_129 = arith.constant 0 : i32
        %dma_wait3A_130 = arith.constant 0 : i32
        %dma_wait3A_131 = tpu.memref_slice %arg9[%run_scoped3A, %dma_wait3A_129, %dma_wait3A_130] : memref<2x128x64xf32, #tpu.memory_space<vmem>> -> memref<1x128x64xf32, #tpu.memory_space<vmem>>
        %dma_wait3A_132 = tpu.memref_squeeze %dma_wait3A_131 : memref<1x128x64xf32, #tpu.memory_space<vmem>> -> memref<128x64xf32, #tpu.memory_space<vmem>>
        %dma_wait3A_133 = arith.constant 0 : i32
        %dma_wait3A_134 = tpu.memref_slice %arg6[%add3A_81, %dma_wait3A_133] : memref<204800x128xf32, #tpu.memory_space<hbm>> -> memref<128x64xf32, #tpu.memory_space<hbm>>
        %dma_wait3A_135 = arith.constant 0 : i32
        %dma_wait3A_136 = tpu.memref_slice %arg6[%add3A_81, %dma_wait3A_135] : memref<204800x128xf32, #tpu.memory_space<hbm>> -> memref<128x64xf32, #tpu.memory_space<hbm>>
        %dma_wait3A_137 = arith.constant 0 : i32
        %dma_wait3A_138 = arith.constant 0 : i32
        %dma_wait3A_139 = tpu.memref_slice %arg9[%run_scoped3A, %dma_wait3A_137, %dma_wait3A_138] : memref<2x128x64xf32, #tpu.memory_space<vmem>> -> memref<1x128x64xf32, #tpu.memory_space<vmem>>
        %dma_wait3A_140 = tpu.memref_squeeze %dma_wait3A_139 : memref<1x128x64xf32, #tpu.memory_space<vmem>> -> memref<128x64xf32, #tpu.memory_space<vmem>>
        tpu.wait_dma2 semaphore(%run_scoped3A_116 : memref<!tpu.dma_semaphore, #tpu.memory_space<semaphore_mem>>) src(%dma_wait3A_140 : memref<128x64xf32, #tpu.memory_space<vmem>>) dst(%dma_wait3A_136 : memref<128x64xf32, #tpu.memory_space<hbm>>)
        tpu.yield
      }) : () -> ()
      %run_scoped3A_82 = arith.constant 0 : i32
      "tpu.region"() ({
        %run_scoped3A_116 = tpu.sem_alloc : memref<!tpu.dma_semaphore, #tpu.memory_space<semaphore_mem>>
        %dma_start3A_117 = arith.constant 0 : i32
        %dma_start3A_118 = arith.constant 0 : i32
        %dma_start3A_119 = tpu.memref_slice %arg10[%run_scoped3A_82, %dma_start3A_117, %dma_start3A_118] : memref<2x128x64xf32, #tpu.memory_space<vmem>> -> memref<1x128x64xf32, #tpu.memory_space<vmem>>
        %dma_start3A_120 = tpu.memref_squeeze %dma_start3A_119 : memref<1x128x64xf32, #tpu.memory_space<vmem>> -> memref<128x64xf32, #tpu.memory_space<vmem>>
        %dma_start3A_121 = arith.constant 64 : i32
        %dma_start3A_122 = tpu.memref_slice %arg6[%add3A_81, %dma_start3A_121] : memref<204800x128xf32, #tpu.memory_space<hbm>> -> memref<128x64xf32, #tpu.memory_space<hbm>>
        %dma_start3A_123 = arith.constant 64 : i32
        %dma_start3A_124 = tpu.memref_slice %arg6[%add3A_81, %dma_start3A_123] : memref<204800x128xf32, #tpu.memory_space<hbm>> -> memref<128x64xf32, #tpu.memory_space<hbm>>
        %dma_start3A_125 = arith.constant 0 : i32
        %dma_start3A_126 = arith.constant 0 : i32
        %dma_start3A_127 = tpu.memref_slice %arg10[%run_scoped3A_82, %dma_start3A_125, %dma_start3A_126] : memref<2x128x64xf32, #tpu.memory_space<vmem>> -> memref<1x128x64xf32, #tpu.memory_space<vmem>>
        %dma_start3A_128 = tpu.memref_squeeze %dma_start3A_127 : memref<1x128x64xf32, #tpu.memory_space<vmem>> -> memref<128x64xf32, #tpu.memory_space<vmem>>
        tpu.enqueue_dma source(%dma_start3A_128 : memref<128x64xf32, #tpu.memory_space<vmem>>) target(%dma_start3A_124 : memref<128x64xf32, #tpu.memory_space<hbm>>) target_semaphore(%run_scoped3A_116 : memref<!tpu.dma_semaphore, #tpu.memory_space<semaphore_mem>>)
        %dma_wait3A_129 = arith.constant 0 : i32
        %dma_wait3A_130 = arith.constant 0 : i32
        %dma_wait3A_131 = tpu.memref_slice %arg10[%run_scoped3A_82, %dma_wait3A_129, %dma_wait3A_130] : memref<2x128x64xf32, #tpu.memory_space<vmem>> -> memref<1x128x64xf32, #tpu.memory_space<vmem>>
        %dma_wait3A_132 = tpu.memref_squeeze %dma_wait3A_131 : memref<1x128x64xf32, #tpu.memory_space<vmem>> -> memref<128x64xf32, #tpu.memory_space<vmem>>
        %dma_wait3A_133 = arith.constant 64 : i32
        %dma_wait3A_134 = tpu.memref_slice %arg6[%add3A_81, %dma_wait3A_133] : memref<204800x128xf32, #tpu.memory_space<hbm>> -> memref<128x64xf32, #tpu.memory_space<hbm>>
        %dma_wait3A_135 = arith.constant 64 : i32
        %dma_wait3A_136 = tpu.memref_slice %arg6[%add3A_81, %dma_wait3A_135] : memref<204800x128xf32, #tpu.memory_space<hbm>> -> memref<128x64xf32, #tpu.memory_space<hbm>>
        %dma_wait3A_137 = arith.constant 0 : i32
        %dma_wait3A_138 = arith.constant 0 : i32
        %dma_wait3A_139 = tpu.memref_slice %arg10[%run_scoped3A_82, %dma_wait3A_137, %dma_wait3A_138] : memref<2x128x64xf32, #tpu.memory_space<vmem>> -> memref<1x128x64xf32, #tpu.memory_space<vmem>>
        %dma_wait3A_140 = tpu.memref_squeeze %dma_wait3A_139 : memref<1x128x64xf32, #tpu.memory_space<vmem>> -> memref<128x64xf32, #tpu.memory_space<vmem>>
        tpu.wait_dma2 semaphore(%run_scoped3A_116 : memref<!tpu.dma_semaphore, #tpu.memory_space<semaphore_mem>>) src(%dma_wait3A_140 : memref<128x64xf32, #tpu.memory_space<vmem>>) dst(%dma_wait3A_136 : memref<128x64xf32, #tpu.memory_space<hbm>>)
        tpu.yield
      }) : () -> ()
      %add3A_83 = arith.constant 2 : i32
      %add3A_84 = arith.addi %mul3A_33, %add3A_83 : i32
      %lt3A = arith.constant 50 : i32
      %lt3A_85 = arith.cmpi slt, %add3A_84, %lt3A : i32
      %convert_element_type3A = arith.extui %lt3A_85 : i1 to i32
      %cond3A = arith.constant 0 : i32
      %cond3A_86 = arith.cmpi ne, %convert_element_type3A, %cond3A : i32
      scf.if %cond3A_86 {
        %add3A_116 = arith.constant 2 : i32
        %add3A_117 = arith.addi %mul3A_33, %add3A_116 : i32
        %dma_start3A_118 = arith.constant 0 : i32
        %dma_start3A_119 = arith.constant 0 : i32
        %dma_start3A_120 = arith.constant 0 : i32
        %dma_start3A_121 = tpu.memref_slice %arg9[%dma_start3A_118, %dma_start3A_119, %dma_start3A_120] : memref<2x128x64xf32, #tpu.memory_space<vmem>> -> memref<1x128x64xf32, #tpu.memory_space<vmem>>
        %dma_start3A_122 = tpu.memref_squeeze %dma_start3A_121 : memref<1x128x64xf32, #tpu.memory_space<vmem>> -> memref<128x64xf32, #tpu.memory_space<vmem>>
        %dma_start3A_123 = arith.constant 0 : i32
        %dma_start3A_124 = tpu.memref_slice %arg7[%add3A_117, %dma_start3A_123] : memref<50x128xi32, #tpu.memory_space<vmem>> -> memref<1x128xi32, #tpu.memory_space<vmem>>
        %dma_start3A_125 = tpu.memref_squeeze %dma_start3A_124 : memref<1x128xi32, #tpu.memory_space<vmem>> -> memref<128xi32, #tpu.memory_space<vmem>>
        %dma_start3A_126 = arith.constant 0 : i32
        %dma_start3A_127 = arith.constant 0 : i32
        %dma_start3A_128 = tpu.memref_slice %arg4[%dma_start3A_126, %dma_start3A_127] : memref<100000x64xf32, #tpu.memory_space<hbm>> -> memref<100000x64xf32, #tpu.memory_space<hbm>>
        tpu.enqueue_indirect_dma source(%dma_start3A_128 : memref<100000x64xf32, #tpu.memory_space<hbm>>) target(%dma_start3A_122 : memref<128x64xf32, #tpu.memory_space<vmem>>) offsets(%dma_start3A_125 : memref<128xi32, #tpu.memory_space<vmem>>) semaphore(%arg11 : memref<!tpu.dma_semaphore, #tpu.memory_space<semaphore_mem>>)
        %dma_start3A_129 = arith.constant 0 : i32
        %dma_start3A_130 = arith.constant 0 : i32
        %dma_start3A_131 = arith.constant 0 : i32
        %dma_start3A_132 = tpu.memref_slice %arg10[%dma_start3A_129, %dma_start3A_130, %dma_start3A_131] : memref<2x128x64xf32, #tpu.memory_space<vmem>> -> memref<1x128x64xf32, #tpu.memory_space<vmem>>
        %dma_start3A_133 = tpu.memref_squeeze %dma_start3A_132 : memref<1x128x64xf32, #tpu.memory_space<vmem>> -> memref<128x64xf32, #tpu.memory_space<vmem>>
        %dma_start3A_134 = arith.constant 0 : i32
        %dma_start3A_135 = tpu.memref_slice %arg8[%add3A_117, %dma_start3A_134] : memref<50x128xi32, #tpu.memory_space<vmem>> -> memref<1x128xi32, #tpu.memory_space<vmem>>
        %dma_start3A_136 = tpu.memref_squeeze %dma_start3A_135 : memref<1x128xi32, #tpu.memory_space<vmem>> -> memref<128xi32, #tpu.memory_space<vmem>>
        %dma_start3A_137 = arith.constant 0 : i32
        %dma_start3A_138 = arith.constant 0 : i32
        %dma_start3A_139 = tpu.memref_slice %arg5[%dma_start3A_137, %dma_start3A_138] : memref<100000x64xf32, #tpu.memory_space<hbm>> -> memref<100000x64xf32, #tpu.memory_space<hbm>>
        tpu.enqueue_indirect_dma source(%dma_start3A_139 : memref<100000x64xf32, #tpu.memory_space<hbm>>) target(%dma_start3A_133 : memref<128x64xf32, #tpu.memory_space<vmem>>) offsets(%dma_start3A_136 : memref<128xi32, #tpu.memory_space<vmem>>) semaphore(%arg13 : memref<!tpu.dma_semaphore, #tpu.memory_space<semaphore_mem>>)
      } else {
      }
      %add3A_87 = arith.constant 1 : i32
      %add3A_88 = arith.addi %mul3A_33, %add3A_87 : i32
      %dma_wait3A_89 = arith.constant 1 : i32
      %dma_wait3A_90 = arith.constant 0 : i32
      %dma_wait3A_91 = arith.constant 0 : i32
      %dma_wait3A_92 = tpu.memref_slice %arg9[%dma_wait3A_89, %dma_wait3A_90, %dma_wait3A_91] : memref<2x128x64xf32, #tpu.memory_space<vmem>> -> memref<1x128x64xf32, #tpu.memory_space<vmem>>
      %dma_wait3A_93 = tpu.memref_squeeze %dma_wait3A_92 : memref<1x128x64xf32, #tpu.memory_space<vmem>> -> memref<128x64xf32, #tpu.memory_space<vmem>>
      %dma_wait3A_94 = arith.constant 0 : i32
      %dma_wait3A_95 = tpu.memref_slice %arg7[%add3A_88, %dma_wait3A_94] : memref<50x128xi32, #tpu.memory_space<vmem>> -> memref<1x128xi32, #tpu.memory_space<vmem>>
      %dma_wait3A_96 = tpu.memref_squeeze %dma_wait3A_95 : memref<1x128xi32, #tpu.memory_space<vmem>> -> memref<128xi32, #tpu.memory_space<vmem>>
      %dma_wait3A_97 = arith.constant 0 : i32
      %dma_wait3A_98 = arith.constant 0 : i32
      %dma_wait3A_99 = tpu.memref_slice %arg4[%dma_wait3A_97, %dma_wait3A_98] : memref<100000x64xf32, #tpu.memory_space<hbm>> -> memref<100000x64xf32, #tpu.memory_space<hbm>>
      tpu.wait_indirect_dma semaphore(%arg12 : memref<!tpu.dma_semaphore, #tpu.memory_space<semaphore_mem>>) src(%dma_wait3A_99 : memref<100000x64xf32, #tpu.memory_space<hbm>>) dst(%dma_wait3A_93 : memref<128x64xf32, #tpu.memory_space<vmem>>)
      %dma_wait3A_100 = arith.constant 1 : i32
      %dma_wait3A_101 = arith.constant 0 : i32
      %dma_wait3A_102 = arith.constant 0 : i32
      %dma_wait3A_103 = tpu.memref_slice %arg10[%dma_wait3A_100, %dma_wait3A_101, %dma_wait3A_102] : memref<2x128x64xf32, #tpu.memory_space<vmem>> -> memref<1x128x64xf32, #tpu.memory_space<vmem>>
      %dma_wait3A_104 = tpu.memref_squeeze %dma_wait3A_103 : memref<1x128x64xf32, #tpu.memory_space<vmem>> -> memref<128x64xf32, #tpu.memory_space<vmem>>
      %dma_wait3A_105 = arith.constant 0 : i32
      %dma_wait3A_106 = tpu.memref_slice %arg8[%add3A_88, %dma_wait3A_105] : memref<50x128xi32, #tpu.memory_space<vmem>> -> memref<1x128xi32, #tpu.memory_space<vmem>>
      %dma_wait3A_107 = tpu.memref_squeeze %dma_wait3A_106 : memref<1x128xi32, #tpu.memory_space<vmem>> -> memref<128xi32, #tpu.memory_space<vmem>>
      %dma_wait3A_108 = arith.constant 0 : i32
      %dma_wait3A_109 = arith.constant 0 : i32
      %dma_wait3A_110 = tpu.memref_slice %arg5[%dma_wait3A_108, %dma_wait3A_109] : memref<100000x64xf32, #tpu.memory_space<hbm>> -> memref<100000x64xf32, #tpu.memory_space<hbm>>
      tpu.wait_indirect_dma semaphore(%arg14 : memref<!tpu.dma_semaphore, #tpu.memory_space<semaphore_mem>>) src(%dma_wait3A_110 : memref<100000x64xf32, #tpu.memory_space<hbm>>) dst(%dma_wait3A_104 : memref<128x64xf32, #tpu.memory_space<vmem>>)
      %mul3A_111 = arith.constant 128 : i32
      %mul3A_112 = arith.muli %add3A_88, %mul3A_111 : i32
      %add3A_113 = arith.addi %mul3A_2, %mul3A_112 : i32
      %run_scoped3A_114 = arith.constant 1 : i32
      "tpu.region"() ({
        %run_scoped3A_116 = tpu.sem_alloc : memref<!tpu.dma_semaphore, #tpu.memory_space<semaphore_mem>>
        %dma_start3A_117 = arith.constant 0 : i32
        %dma_start3A_118 = arith.constant 0 : i32
        %dma_start3A_119 = tpu.memref_slice %arg9[%run_scoped3A_114, %dma_start3A_117, %dma_start3A_118] : memref<2x128x64xf32, #tpu.memory_space<vmem>> -> memref<1x128x64xf32, #tpu.memory_space<vmem>>
        %dma_start3A_120 = tpu.memref_squeeze %dma_start3A_119 : memref<1x128x64xf32, #tpu.memory_space<vmem>> -> memref<128x64xf32, #tpu.memory_space<vmem>>
        %dma_start3A_121 = arith.constant 0 : i32
        %dma_start3A_122 = tpu.memref_slice %arg6[%add3A_113, %dma_start3A_121] : memref<204800x128xf32, #tpu.memory_space<hbm>> -> memref<128x64xf32, #tpu.memory_space<hbm>>
        %dma_start3A_123 = arith.constant 0 : i32
        %dma_start3A_124 = tpu.memref_slice %arg6[%add3A_113, %dma_start3A_123] : memref<204800x128xf32, #tpu.memory_space<hbm>> -> memref<128x64xf32, #tpu.memory_space<hbm>>
        %dma_start3A_125 = arith.constant 0 : i32
        %dma_start3A_126 = arith.constant 0 : i32
        %dma_start3A_127 = tpu.memref_slice %arg9[%run_scoped3A_114, %dma_start3A_125, %dma_start3A_126] : memref<2x128x64xf32, #tpu.memory_space<vmem>> -> memref<1x128x64xf32, #tpu.memory_space<vmem>>
        %dma_start3A_128 = tpu.memref_squeeze %dma_start3A_127 : memref<1x128x64xf32, #tpu.memory_space<vmem>> -> memref<128x64xf32, #tpu.memory_space<vmem>>
        tpu.enqueue_dma source(%dma_start3A_128 : memref<128x64xf32, #tpu.memory_space<vmem>>) target(%dma_start3A_124 : memref<128x64xf32, #tpu.memory_space<hbm>>) target_semaphore(%run_scoped3A_116 : memref<!tpu.dma_semaphore, #tpu.memory_space<semaphore_mem>>)
        %dma_wait3A_129 = arith.constant 0 : i32
        %dma_wait3A_130 = arith.constant 0 : i32
        %dma_wait3A_131 = tpu.memref_slice %arg9[%run_scoped3A_114, %dma_wait3A_129, %dma_wait3A_130] : memref<2x128x64xf32, #tpu.memory_space<vmem>> -> memref<1x128x64xf32, #tpu.memory_space<vmem>>
        %dma_wait3A_132 = tpu.memref_squeeze %dma_wait3A_131 : memref<1x128x64xf32, #tpu.memory_space<vmem>> -> memref<128x64xf32, #tpu.memory_space<vmem>>
        %dma_wait3A_133 = arith.constant 0 : i32
        %dma_wait3A_134 = tpu.memref_slice %arg6[%add3A_113, %dma_wait3A_133] : memref<204800x128xf32, #tpu.memory_space<hbm>> -> memref<128x64xf32, #tpu.memory_space<hbm>>
        %dma_wait3A_135 = arith.constant 0 : i32
        %dma_wait3A_136 = tpu.memref_slice %arg6[%add3A_113, %dma_wait3A_135] : memref<204800x128xf32, #tpu.memory_space<hbm>> -> memref<128x64xf32, #tpu.memory_space<hbm>>
        %dma_wait3A_137 = arith.constant 0 : i32
        %dma_wait3A_138 = arith.constant 0 : i32
        %dma_wait3A_139 = tpu.memref_slice %arg9[%run_scoped3A_114, %dma_wait3A_137, %dma_wait3A_138] : memref<2x128x64xf32, #tpu.memory_space<vmem>> -> memref<1x128x64xf32, #tpu.memory_space<vmem>>
        %dma_wait3A_140 = tpu.memref_squeeze %dma_wait3A_139 : memref<1x128x64xf32, #tpu.memory_space<vmem>> -> memref<128x64xf32, #tpu.memory_space<vmem>>
        tpu.wait_dma2 semaphore(%run_scoped3A_116 : memref<!tpu.dma_semaphore, #tpu.memory_space<semaphore_mem>>) src(%dma_wait3A_140 : memref<128x64xf32, #tpu.memory_space<vmem>>) dst(%dma_wait3A_136 : memref<128x64xf32, #tpu.memory_space<hbm>>)
        tpu.yield
      }) : () -> ()
      %run_scoped3A_115 = arith.constant 1 : i32
      "tpu.region"() ({
        %run_scoped3A_116 = tpu.sem_alloc : memref<!tpu.dma_semaphore, #tpu.memory_space<semaphore_mem>>
        %dma_start3A_117 = arith.constant 0 : i32
        %dma_start3A_118 = arith.constant 0 : i32
        %dma_start3A_119 = tpu.memref_slice %arg10[%run_scoped3A_115, %dma_start3A_117, %dma_start3A_118] : memref<2x128x64xf32, #tpu.memory_space<vmem>> -> memref<1x128x64xf32, #tpu.memory_space<vmem>>
        %dma_start3A_120 = tpu.memref_squeeze %dma_start3A_119 : memref<1x128x64xf32, #tpu.memory_space<vmem>> -> memref<128x64xf32, #tpu.memory_space<vmem>>
        %dma_start3A_121 = arith.constant 64 : i32
        %dma_start3A_122 = tpu.memref_slice %arg6[%add3A_113, %dma_start3A_121] : memref<204800x128xf32, #tpu.memory_space<hbm>> -> memref<128x64xf32, #tpu.memory_space<hbm>>
        %dma_start3A_123 = arith.constant 64 : i32
        %dma_start3A_124 = tpu.memref_slice %arg6[%add3A_113, %dma_start3A_123] : memref<204800x128xf32, #tpu.memory_space<hbm>> -> memref<128x64xf32, #tpu.memory_space<hbm>>
        %dma_start3A_125 = arith.constant 0 : i32
        %dma_start3A_126 = arith.constant 0 : i32
        %dma_start3A_127 = tpu.memref_slice %arg10[%run_scoped3A_115, %dma_start3A_125, %dma_start3A_126] : memref<2x128x64xf32, #tpu.memory_space<vmem>> -> memref<1x128x64xf32, #tpu.memory_space<vmem>>
        %dma_start3A_128 = tpu.memref_squeeze %dma_start3A_127 : memref<1x128x64xf32, #tpu.memory_space<vmem>> -> memref<128x64xf32, #tpu.memory_space<vmem>>
        tpu.enqueue_dma source(%dma_start3A_128 : memref<128x64xf32, #tpu.memory_space<vmem>>) target(%dma_start3A_124 : memref<128x64xf32, #tpu.memory_space<hbm>>) target_semaphore(%run_scoped3A_116 : memref<!tpu.dma_semaphore, #tpu.memory_space<semaphore_mem>>)
        %dma_wait3A_129 = arith.constant 0 : i32
        %dma_wait3A_130 = arith.constant 0 : i32
        %dma_wait3A_131 = tpu.memref_slice %arg10[%run_scoped3A_115, %dma_wait3A_129, %dma_wait3A_130] : memref<2x128x64xf32, #tpu.memory_space<vmem>> -> memref<1x128x64xf32, #tpu.memory_space<vmem>>
        %dma_wait3A_132 = tpu.memref_squeeze %dma_wait3A_131 : memref<1x128x64xf32, #tpu.memory_space<vmem>> -> memref<128x64xf32, #tpu.memory_space<vmem>>
        %dma_wait3A_133 = arith.constant 64 : i32
        %dma_wait3A_134 = tpu.memref_slice %arg6[%add3A_113, %dma_wait3A_133] : memref<204800x128xf32, #tpu.memory_space<hbm>> -> memref<128x64xf32, #tpu.memory_space<hbm>>
        %dma_wait3A_135 = arith.constant 64 : i32
        %dma_wait3A_136 = tpu.memref_slice %arg6[%add3A_113, %dma_wait3A_135] : memref<204800x128xf32, #tpu.memory_space<hbm>> -> memref<128x64xf32, #tpu.memory_space<hbm>>
        %dma_wait3A_137 = arith.constant 0 : i32
        %dma_wait3A_138 = arith.constant 0 : i32
        %dma_wait3A_139 = tpu.memref_slice %arg10[%run_scoped3A_115, %dma_wait3A_137, %dma_wait3A_138] : memref<2x128x64xf32, #tpu.memory_space<vmem>> -> memref<1x128x64xf32, #tpu.memory_space<vmem>>
        %dma_wait3A_140 = tpu.memref_squeeze %dma_wait3A_139 : memref<1x128x64xf32, #tpu.memory_space<vmem>> -> memref<128x64xf32, #tpu.memory_space<vmem>>
        tpu.wait_dma2 semaphore(%run_scoped3A_116 : memref<!tpu.dma_semaphore, #tpu.memory_space<semaphore_mem>>) src(%dma_wait3A_140 : memref<128x64xf32, #tpu.memory_space<vmem>>) dst(%dma_wait3A_136 : memref<128x64xf32, #tpu.memory_space<hbm>>)
        tpu.yield
      }) : () -> ()
    }
    %scan3A_30 = arith.constant 25 : i32
    return
  }
}

module attributes {stable_mosaic.version = 14 : i64} {
  func.func @kern(%arg0: i32, %arg1: memref<4096x128xf32, #tpu.memory_space<vmem>>, %arg2: memref<128x256xf32, #tpu.memory_space<vmem>>, %arg3: memref<1x256xf32, #tpu.memory_space<vmem>>, %arg4: memref<1x256xf32, #tpu.memory_space<vmem>>, %arg5: memref<2x256xf32, #tpu.memory_space<vmem>>, %arg6: memref<128x128xf32, #tpu.memory_space<vmem>>, %arg7: memref<1x128xf32, #tpu.memory_space<vmem>>) attributes {dimension_semantics = [#tpu.dimension_semantics<arbitrary>], iteration_bounds = array<i64: 50>, scalar_prefetch = 0 : i64, scratch_operands = 2 : i64, tpu.core_type = #tpu.core_type<tc>, window_params = [{transform_indices = @transform_0, window_bounds = array<i64: 4096, 128>}, {pipeline_mode = #tpu.pipeline_mode<synchronous>, transform_indices = @transform_1, window_bounds = array<i64: 128, 256>}, {pipeline_mode = #tpu.pipeline_mode<synchronous>, transform_indices = @transform_2, window_bounds = array<i64: 1, 256>}, {pipeline_mode = #tpu.pipeline_mode<synchronous>, transform_indices = @transform_3, window_bounds = array<i64: 1, 256>}, {pipeline_mode = #tpu.pipeline_mode<synchronous>, transform_indices = @transform_4, window_bounds = array<i64: 2, 256>}]} {
    %eq3A = arith.constant 0 : i32
    %eq3A_0 = arith.cmpi eq, %arg0, %eq3A : i32
    %convert_element_type3A = arith.extui %eq3A_0 : i1 to i32
    %cond3A = arith.constant 0 : i32
    %cond3A_1 = arith.cmpi ne, %convert_element_type3A, %cond3A : i32
    scf.if %cond3A_1 {
      %broadcast_in_dim3A_23 = arith.constant 0.000000e+00 : f32
      %broadcast_in_dim3A_24 = vector.broadcast %broadcast_in_dim3A_23 : f32 to vector<128x128xf32>
      %swap3A_25 = arith.constant 0 : index
      %swap3A_26 = arith.constant 0 : index
      %swap3A_27 = vector.load %arg6[%swap3A_25, %swap3A_26] : memref<128x128xf32, #tpu.memory_space<vmem>>, vector<128x128xf32>
      tpu.vector_store %arg6[%swap3A_25, %swap3A_26], %broadcast_in_dim3A_24 {strides = array<i32>} : memref<128x128xf32, #tpu.memory_space<vmem>>, vector<128x128xf32>,
      %broadcast_in_dim3A_28 = arith.constant 0.000000e+00 : f32
      %broadcast_in_dim3A_29 = vector.broadcast %broadcast_in_dim3A_28 : f32 to vector<1x128xf32>
      %swap3A_30 = arith.constant 0 : index
      %swap3A_31 = arith.constant 0 : index
      %swap3A_32 = vector.load %arg7[%swap3A_30, %swap3A_31] : memref<1x128xf32, #tpu.memory_space<vmem>>, vector<1x128xf32>
      tpu.vector_store %arg7[%swap3A_30, %swap3A_31], %broadcast_in_dim3A_29 {strides = array<i32>} : memref<1x128xf32, #tpu.memory_space<vmem>>, vector<1x128xf32>,
    } else {
    }
    %get3A = arith.constant 0 : index
    %get3A_2 = arith.constant 0 : index
    %get3A_3 = vector.load %arg1[%get3A, %get3A_2] : memref<4096x128xf32, #tpu.memory_space<vmem>>, vector<4096x128xf32>
    %get3A_4 = arith.constant 0 : index
    %get3A_5 = arith.constant 0 : index
    %get3A_6 = vector.load %arg6[%get3A_4, %get3A_5] : memref<128x128xf32, #tpu.memory_space<vmem>>, vector<128x128xf32>
    %dot_general3A = arith.constant dense<0.000000e+00> : vector<128x128xf32>
    %dot_general3A_7 = tpu.matmul %get3A_3, %get3A_3, %dot_general3A {dimension_numbers = #tpu.dot_dimension_numbers<[0], [0], [1], [1], [0, 1, 1, 1], [], []>, transpose_lhs_hint = false} : vector<4096x128xf32>, vector<4096x128xf32>, vector<128x128xf32> -> vector<128x128xf32>
    %add3A = arith.addf %get3A_6, %dot_general3A_7 : vector<128x128xf32>
    %swap3A = arith.constant 0 : index
    %swap3A_8 = arith.constant 0 : index
    %swap3A_9 = vector.load %arg6[%swap3A, %swap3A_8] : memref<128x128xf32, #tpu.memory_space<vmem>>, vector<128x128xf32>
    tpu.vector_store %arg6[%swap3A, %swap3A_8], %add3A {strides = array<i32>} : memref<128x128xf32, #tpu.memory_space<vmem>>, vector<128x128xf32>,
    %get3A_10 = arith.constant 0 : index
    %get3A_11 = arith.constant 0 : index
    %get3A_12 = vector.load %arg7[%get3A_10, %get3A_11] : memref<1x128xf32, #tpu.memory_space<vmem>>, vector<1x128xf32>
    %reduce_sum3A = arith.constant dense<0.000000e+00> : vector<128xf32>
    %reduce_sum3A_13 = vector.multi_reduction <add>, %get3A_3, %reduce_sum3A [0] : vector<4096x128xf32> to vector<128xf32>
    %broadcast_in_dim3A = vector.shape_cast %reduce_sum3A_13 : vector<128xf32> to vector<1x128xf32>
    %add3A_14 = arith.addf %get3A_12, %broadcast_in_dim3A : vector<1x128xf32>
    %swap3A_15 = arith.constant 0 : index
    %swap3A_16 = arith.constant 0 : index
    %swap3A_17 = vector.load %arg7[%swap3A_15, %swap3A_16] : memref<1x128xf32, #tpu.memory_space<vmem>>, vector<1x128xf32>
    tpu.vector_store %arg7[%swap3A_15, %swap3A_16], %add3A_14 {strides = array<i32>} : memref<1x128xf32, #tpu.memory_space<vmem>>, vector<1x128xf32>,
    %eq3A_18 = arith.constant 49 : i32
    %eq3A_19 = arith.cmpi eq, %arg0, %eq3A_18 : i32
    %convert_element_type3A_20 = arith.extui %eq3A_19 : i1 to i32
    %cond3A_21 = arith.constant 0 : i32
    %cond3A_22 = arith.cmpi ne, %convert_element_type3A_20, %cond3A_21 : i32
    scf.if %cond3A_22 {
      %get3A_23 = arith.constant 0 : index
      %get3A_24 = arith.constant 0 : index
      %get3A_25 = vector.load %arg2[%get3A_23, %get3A_24] : memref<128x256xf32, #tpu.memory_space<vmem>>, vector<128x256xf32>
      %get3A_26 = arith.constant 0 : index
      %get3A_27 = arith.constant 0 : index
      %get3A_28 = vector.load %arg7[%get3A_26, %get3A_27] : memref<1x128xf32, #tpu.memory_space<vmem>>, vector<1x128xf32>
      %dot_general3A_29 = arith.constant dense<0.000000e+00> : vector<1x256xf32>
      %dot_general3A_30 = tpu.matmul %get3A_28, %get3A_25, %dot_general3A_29 {dimension_numbers = #tpu.dot_dimension_numbers<[1], [0], [0], [1], [0, 0, 1, 1], [], []>, transpose_lhs_hint = false} : vector<1x128xf32>, vector<128x256xf32>, vector<1x256xf32> -> vector<1x256xf32>
      %div3A = arith.constant 2.048000e+05 : f32
      %div3A_31 = vector.broadcast %div3A : f32 to vector<1x256xf32>
      %div3A_32 = arith.divf %dot_general3A_30, %div3A_31 : vector<1x256xf32>
      %get3A_33 = arith.constant 0 : index
      %get3A_34 = arith.constant 0 : index
      %get3A_35 = vector.load %arg6[%get3A_33, %get3A_34] : memref<128x128xf32, #tpu.memory_space<vmem>>, vector<128x128xf32>
      %dot_general3A_36 = arith.constant dense<0.000000e+00> : vector<128x256xf32>
      %dot_general3A_37 = tpu.matmul %get3A_35, %get3A_25, %dot_general3A_36 {dimension_numbers = #tpu.dot_dimension_numbers<[1], [0], [0], [1], [0, 0, 1, 1], [], []>, transpose_lhs_hint = false} : vector<128x128xf32>, vector<128x256xf32>, vector<128x256xf32> -> vector<128x256xf32>
      %mul3A = arith.mulf %get3A_25, %dot_general3A_37 : vector<128x256xf32>
      %reduce_sum3A_38 = arith.constant dense<0.000000e+00> : vector<256xf32>
      %reduce_sum3A_39 = vector.multi_reduction <add>, %mul3A, %reduce_sum3A_38 [0] : vector<128x256xf32> to vector<256xf32>
      %broadcast_in_dim3A_40 = vector.shape_cast %reduce_sum3A_39 : vector<256xf32> to vector<1x256xf32>
      %div3A_41 = arith.constant 2.048000e+05 : f32
      %div3A_42 = vector.broadcast %div3A_41 : f32 to vector<1x256xf32>
      %div3A_43 = arith.divf %broadcast_in_dim3A_40, %div3A_42 : vector<1x256xf32>
      %mul3A_44 = arith.mulf %div3A_32, %div3A_32 : vector<1x256xf32>
      %sub3A = arith.subf %div3A_43, %mul3A_44 : vector<1x256xf32>
      %get3A_45 = arith.constant 0 : index
      %get3A_46 = arith.constant 0 : index
      %get3A_47 = vector.load %arg3[%get3A_45, %get3A_46] : memref<1x256xf32, #tpu.memory_space<vmem>>, vector<1x256xf32>
      %add3A_48 = arith.constant 9.99999974E-6 : f32
      %add3A_49 = vector.broadcast %add3A_48 : f32 to vector<1x256xf32>
      %add3A_50 = arith.addf %sub3A, %add3A_49 : vector<1x256xf32>
      %rsqrt3A = math.rsqrt %add3A_50 : vector<1x256xf32>
      %mul3A_51 = arith.mulf %get3A_47, %rsqrt3A : vector<1x256xf32>
      %get3A_52 = arith.constant 0 : index
      %get3A_53 = arith.constant 0 : index
      %get3A_54 = vector.load %arg4[%get3A_52, %get3A_53] : memref<1x256xf32, #tpu.memory_space<vmem>>, vector<1x256xf32>
      %mul3A_55 = arith.mulf %div3A_32, %mul3A_51 : vector<1x256xf32>
      %sub3A_56 = arith.subf %get3A_54, %mul3A_55 : vector<1x256xf32>
      %swap3A_57 = arith.constant 0 : index
      %swap3A_58 = arith.constant 0 : index
      %swap3A_59 = vector.load %arg5[%swap3A_57, %swap3A_58] : memref<2x256xf32, #tpu.memory_space<vmem>>, vector<1x256xf32>
      tpu.vector_store %arg5[%swap3A_57, %swap3A_58], %mul3A_51 {strides = array<i32>} : memref<2x256xf32, #tpu.memory_space<vmem>>, vector<1x256xf32>,
      %swap3A_60 = arith.constant 1 : index
      %swap3A_61 = arith.constant 0 : index
      %swap3A_62 = vector.load %arg5[%swap3A_60, %swap3A_61] : memref<2x256xf32, #tpu.memory_space<vmem>>, vector<1x256xf32>
      tpu.vector_store %arg5[%swap3A_60, %swap3A_61], %sub3A_56 {strides = array<i32>} : memref<2x256xf32, #tpu.memory_space<vmem>>, vector<1x256xf32>,
    } else {
    }
    return
  }
  func.func @transform_0(%arg0: i32) -> (i32, i32) {
    %c0_i32 = arith.constant 0 : i32
    %c0_i32_0 = arith.constant 0 : i32
    return %arg0, %c0_i32 : i32, i32
  }
  func.func @transform_1(%arg0: i32) -> (i32, i32) {
    %c0_i32 = arith.constant 0 : i32
    %c0_i32_0 = arith.constant 0 : i32
    %c0_i32_1 = arith.constant 0 : i32
    return %c0_i32, %c0_i32_0 : i32, i32
  }
  func.func @transform_2(%arg0: i32) -> (i32, i32) {
    %c0_i32 = arith.constant 0 : i32
    %c0_i32_0 = arith.constant 0 : i32
    %c0_i32_1 = arith.constant 0 : i32
    return %c0_i32, %c0_i32_0 : i32, i32
  }
  func.func @transform_3(%arg0: i32) -> (i32, i32) {
    %c0_i32 = arith.constant 0 : i32
    %c0_i32_0 = arith.constant 0 : i32
    %c0_i32_1 = arith.constant 0 : i32
    return %c0_i32, %c0_i32_0 : i32, i32
  }
  func.func @transform_4(%arg0: i32) -> (i32, i32) {
    %c0_i32 = arith.constant 0 : i32
    %c0_i32_0 = arith.constant 0 : i32
    %c0_i32_1 = arith.constant 0 : i32
    return %c0_i32, %c0_i32_0 : i32, i32
  }
}

module attributes {stable_mosaic.version = 14 : i64} {
  func.func @kern(%arg0: i32, %arg1: i32, %arg2: memref<2048x128xf32, #tpu.memory_space<vmem>>, %arg3: memref<2048x50xf32, #tpu.memory_space<vmem>>, %arg4: memref<2x256xf32, #tpu.memory_space<vmem>>, %arg5: memref<128x256xf32, #tpu.memory_space<vmem>>, %arg6: memref<256x1000xf32, #tpu.memory_space<vmem>>, %arg7: memref<1x1000xf32, #tpu.memory_space<vmem>>, %arg8: memref<2048x1000xf32, #tpu.memory_space<vmem>>, %arg9: memref<2048x256xf32, #tpu.memory_space<vmem>>) attributes {dimension_semantics = [#tpu.dimension_semantics<arbitrary>, #tpu.dimension_semantics<arbitrary>], iteration_bounds = array<i64: 2, 50>, scalar_prefetch = 0 : i64, scratch_operands = 1 : i64, tpu.core_type = #tpu.core_type<tc>, window_params = [{transform_indices = @transform_0, window_bounds = array<i64: 2048, 128>}, {transform_indices = @transform_1, window_bounds = array<i64: 2048, 50>}, {pipeline_mode = #tpu.pipeline_mode<synchronous>, transform_indices = @transform_2, window_bounds = array<i64: 2, 256>}, {pipeline_mode = #tpu.pipeline_mode<synchronous>, transform_indices = @transform_3, window_bounds = array<i64: 128, 256>}, {pipeline_mode = #tpu.pipeline_mode<synchronous>, transform_indices = @transform_4, window_bounds = array<i64: 256, 1000>}, {pipeline_mode = #tpu.pipeline_mode<synchronous>, transform_indices = @transform_5, window_bounds = array<i64: 1, 1000>}, {transform_indices = @transform_6, window_bounds = array<i64: 2048, 1000>}]} {
    %get3A = arith.constant 0 : index
    %get3A_0 = arith.constant 0 : index
    %get3A_1 = vector.load %arg5[%get3A, %get3A_0] : memref<128x256xf32, #tpu.memory_space<vmem>>, vector<128x256xf32>
    %get3A_2 = arith.constant 0 : index
    %get3A_3 = arith.constant 0 : index
    %get3A_4 = vector.load %arg4[%get3A_2, %get3A_3] : memref<2x256xf32, #tpu.memory_space<vmem>>, vector<1x256xf32>
    %mul3A = vector.broadcast %get3A_4 : vector<1x256xf32> to vector<128x256xf32>
    %mul3A_5 = arith.mulf %get3A_1, %mul3A : vector<128x256xf32>
    %get3A_6 = arith.constant 0 : index
    %get3A_7 = arith.constant 0 : index
    %get3A_8 = vector.load %arg2[%get3A_6, %get3A_7] : memref<2048x128xf32, #tpu.memory_space<vmem>>, vector<2048x128xf32>
    %dot_general3A = arith.constant dense<0.000000e+00> : vector<2048x256xf32>
    %dot_general3A_9 = tpu.matmul %get3A_8, %mul3A_5, %dot_general3A {dimension_numbers = #tpu.dot_dimension_numbers<[1], [0], [0], [1], [0, 0, 1, 1], [], []>, transpose_lhs_hint = false} : vector<2048x128xf32>, vector<128x256xf32>, vector<2048x256xf32> -> vector<2048x256xf32>
    %get3A_10 = arith.constant 1 : index
    %get3A_11 = arith.constant 0 : index
    %get3A_12 = vector.load %arg4[%get3A_10, %get3A_11] : memref<2x256xf32, #tpu.memory_space<vmem>>, vector<1x256xf32>
    %add3A = vector.broadcast %get3A_12 : vector<1x256xf32> to vector<2048x256xf32>
    %add3A_13 = arith.addf %dot_general3A_9, %add3A : vector<2048x256xf32>
    %max3A = arith.constant 0.000000e+00 : f32
    %max3A_14 = vector.broadcast %max3A : f32 to vector<2048x256xf32>
    %max3A_15 = arith.maximumf %add3A_13, %max3A_14 : vector<2048x256xf32>
    %eq3A = arith.constant 0 : i32
    %eq3A_16 = arith.cmpi eq, %arg1, %eq3A : i32
    %convert_element_type3A = arith.extui %eq3A_16 : i1 to i32
    %cond3A = arith.constant 0 : i32
    %cond3A_17 = arith.cmpi ne, %convert_element_type3A, %cond3A : i32
    scf.if %cond3A_17 {
      %swap3A = arith.constant 0 : index
      %swap3A_27 = arith.constant 0 : index
      %swap3A_28 = vector.load %arg9[%swap3A, %swap3A_27] : memref<2048x256xf32, #tpu.memory_space<vmem>>, vector<2048x256xf32>
      tpu.vector_store %arg9[%swap3A, %swap3A_27], %max3A_15 {strides = array<i32>} : memref<2048x256xf32, #tpu.memory_space<vmem>>, vector<2048x256xf32>,
    } else {
    }
    %gt3A = arith.constant 0 : i32
    %gt3A_18 = arith.cmpi sgt, %arg1, %gt3A : i32
    %convert_element_type3A_19 = arith.extui %gt3A_18 : i1 to i32
    %cond3A_20 = arith.constant 0 : i32
    %cond3A_21 = arith.cmpi ne, %convert_element_type3A_19, %cond3A_20 : i32
    scf.if %cond3A_21 {
      %get3A_27 = arith.constant 0 : index
      %get3A_28 = arith.constant 0 : index
      %get3A_29 = vector.load %arg9[%get3A_27, %get3A_28] : memref<2048x256xf32, #tpu.memory_space<vmem>>, vector<2048x256xf32>
      %add3A_30 = arith.addf %get3A_29, %max3A_15 : vector<2048x256xf32>
      %swap3A = arith.constant 0 : index
      %swap3A_31 = arith.constant 0 : index
      %swap3A_32 = vector.load %arg9[%swap3A, %swap3A_31] : memref<2048x256xf32, #tpu.memory_space<vmem>>, vector<2048x256xf32>
      tpu.vector_store %arg9[%swap3A, %swap3A_31], %add3A_30 {strides = array<i32>} : memref<2048x256xf32, #tpu.memory_space<vmem>>, vector<2048x256xf32>,
    } else {
    }
    %eq3A_22 = arith.constant 49 : i32
    %eq3A_23 = arith.cmpi eq, %arg1, %eq3A_22 : i32
    %convert_element_type3A_24 = arith.extui %eq3A_23 : i1 to i32
    %cond3A_25 = arith.constant 0 : i32
    %cond3A_26 = arith.cmpi ne, %convert_element_type3A_24, %cond3A_25 : i32
    scf.if %cond3A_26 {
      %get3A_27 = arith.constant 0 : index
      %get3A_28 = arith.constant 0 : index
      %get3A_29 = vector.load %arg3[%get3A_27, %get3A_28] : memref<2048x50xf32, #tpu.memory_space<vmem>>, vector<2048x50xf32>
      %reduce_sum3A = arith.constant dense<0.000000e+00> : vector<2048xf32>
      %reduce_sum3A_30 = vector.multi_reduction <add>, %get3A_29, %reduce_sum3A [1] : vector<2048x50xf32> to vector<2048xf32>
      %broadcast_in_dim3A = vector.shape_cast %reduce_sum3A_30 : vector<2048xf32> to vector<2048x1xf32>
      %get3A_31 = arith.constant 0 : index
      %get3A_32 = arith.constant 0 : index
      %get3A_33 = vector.load %arg9[%get3A_31, %get3A_32] : memref<2048x256xf32, #tpu.memory_space<vmem>>, vector<2048x256xf32>
      %div3A = vector.broadcast %broadcast_in_dim3A : vector<2048x1xf32> to vector<2048x256xf32>
      %div3A_34 = arith.divf %get3A_33, %div3A : vector<2048x256xf32>
      %get3A_35 = arith.constant 0 : index
      %get3A_36 = arith.constant 0 : index
      %get3A_37 = vector.load %arg6[%get3A_35, %get3A_36] : memref<256x1000xf32, #tpu.memory_space<vmem>>, vector<256x1000xf32>
      %dot_general3A_38 = arith.constant dense<0.000000e+00> : vector<2048x1000xf32>
      %dot_general3A_39 = tpu.matmul %div3A_34, %get3A_37, %dot_general3A_38 {dimension_numbers = #tpu.dot_dimension_numbers<[1], [0], [0], [1], [0, 0, 1, 1], [], []>, transpose_lhs_hint = false} : vector<2048x256xf32>, vector<256x1000xf32>, vector<2048x1000xf32> -> vector<2048x1000xf32>
      %get3A_40 = arith.constant 0 : index
      %get3A_41 = arith.constant 0 : index
      %get3A_42 = vector.load %arg7[%get3A_40, %get3A_41] : memref<1x1000xf32, #tpu.memory_space<vmem>>, vector<1x1000xf32>
      %add3A_43 = vector.broadcast %get3A_42 : vector<1x1000xf32> to vector<2048x1000xf32>
      %add3A_44 = arith.addf %dot_general3A_39, %add3A_43 : vector<2048x1000xf32>
      %swap3A = arith.constant 0 : index
      %swap3A_45 = arith.constant 0 : index
      %swap3A_46 = vector.load %arg8[%swap3A, %swap3A_45] : memref<2048x1000xf32, #tpu.memory_space<vmem>>, vector<2048x1000xf32>
      tpu.vector_store %arg8[%swap3A, %swap3A_45], %add3A_44 {strides = array<i32>} : memref<2048x1000xf32, #tpu.memory_space<vmem>>, vector<2048x1000xf32>,
    } else {
    }
    return
  }
  func.func @transform_0(%arg0: i32, %arg1: i32) -> (i32, i32) {
    %mul3A = arith.constant 2 : i32
    %mul3A_0 = arith.muli %arg1, %mul3A : i32
    %add3A = arith.addi %mul3A_0, %arg0 : i32
    %c0_i32 = arith.constant 0 : i32
    %c0_i32_1 = arith.constant 0 : i32
    return %add3A, %c0_i32 : i32, i32
  }
  func.func @transform_1(%arg0: i32, %arg1: i32) -> (i32, i32) {
    %c0_i32 = arith.constant 0 : i32
    %c0_i32_0 = arith.constant 0 : i32
    return %arg0, %c0_i32 : i32, i32
  }
  func.func @transform_2(%arg0: i32, %arg1: i32) -> (i32, i32) {
    %c0_i32 = arith.constant 0 : i32
    %c0_i32_0 = arith.constant 0 : i32
    %c0_i32_1 = arith.constant 0 : i32
    return %c0_i32, %c0_i32_0 : i32, i32
  }
  func.func @transform_3(%arg0: i32, %arg1: i32) -> (i32, i32) {
    %c0_i32 = arith.constant 0 : i32
    %c0_i32_0 = arith.constant 0 : i32
    %c0_i32_1 = arith.constant 0 : i32
    return %c0_i32, %c0_i32_0 : i32, i32
  }
  func.func @transform_4(%arg0: i32, %arg1: i32) -> (i32, i32) {
    %c0_i32 = arith.constant 0 : i32
    %c0_i32_0 = arith.constant 0 : i32
    %c0_i32_1 = arith.constant 0 : i32
    return %c0_i32, %c0_i32_0 : i32, i32
  }
  func.func @transform_5(%arg0: i32, %arg1: i32) -> (i32, i32) {
    %c0_i32 = arith.constant 0 : i32
    %c0_i32_0 = arith.constant 0 : i32
    %c0_i32_1 = arith.constant 0 : i32
    return %c0_i32, %c0_i32_0 : i32, i32
  }
  func.func @transform_6(%arg0: i32, %arg1: i32) -> (i32, i32) {
    %c0_i32 = arith.constant 0 : i32
    %c0_i32_0 = arith.constant 0 : i32
    return %arg0, %c0_i32 : i32, i32
  }
}

</mosaic_0001>

<sc_bundles>
// kernel: kernel.5.cloned.1.call-start
scs
__scs_entry_jumppad:
0x0: {  	(pc) =	sbr.rel $0x88, $3  }
0x1: {  	(tag) =	ssettag $0x0;
	lr =	simm.s32 $0x1  }
0x2: {  	[smem:$0x3F97] =	sst lr;
	_ =	strace $0xD0000000  }
0x3: {  	_ = 	snop  }
0x4: {  	_ = 	snop  }
0x5: {  	_ = 	snop  }
0x6: {  	_ = 	snop  }
0x7: {  	_ = 	snop  }
__scs_overlays_trampoline_lowered:
0x8: {  	[smem:$0x3FA6] =	sst s0  }
0x9: {  	[smem:$0x3FA7] =	sst s1  }
0xa: {  	[smem:$0x3FA8] =	sst s2  }
0xb: {  	[smem:$0x3FA9] =	sst s3  }
0xc: {  	[smem:$0x3FAA] =	sst s4  }
0xd: {  	[smem:$0x3FAB] =	sst s5  }
0xe: {  	[smem:$0x3FAC] =	sst s6  }
0xf: {  	[smem:$0x3FAD] =	sst s7  }
0x10: {  	[smem:$0x3FAE] =	sst s8  }
0x11: {  	[smem:$0x3FAF] =	sst s9;
	s0 =	simm.s32 @!p0 $0x0  }
0x12: {  	s1 =	sld [smem:$0x3F95];
	s0 =	simm.s32 @p0 $0x1  }
0x13: {  	[smem:$0x3FB0] =	sst s0;
	s0 =	simm.s32 @!p1 $0x0  }
0x14: {  	s2 =	sld [smem:$0x3F94];
	s0 =	simm.s32 @p1 $0x1  }
0x15: {  	[smem:$0x3FB1] =	sst s0;
	s0 =	simm.s32 @!p2 $0x0  }
0x16: {  	s3 =	sld [smem:$0x3FDB];
	s0 =	simm.s32 @p2 $0x1  }
0x17: {  	s4 =	simm.s32 $0x1BF5;
	[smem:$0x3FB3] =	sst s0  }
0x18: {  	s0 =	sld [smem:$0x3F96];
	_ =	swait.ge [sflag:s4], $0x0  }
0x19: {  	s7 =	sld [smem:$0x3F97]  }
0x1a: {  	s8 =	sadd.s32 $0xFFFFE003, lr  }
0x1b: {  	s9 =	sadd.s32 $0xFFFFFEF7, lr;
	s5 =	simm.s32 $0xFFFFFFFF;
	p2 =	slt.u32 s8, $0xFFFFF086  }
0x1c: {  	p1 =	slt.u32 s9, $0xF7A;
	s5 =	simm.s32 @!p2 $0x0  }
0x1d: {  	s5 =	simm.s32 @p1 $0x1;
	p0 =	seq.s32 s7, s2  }
0x1e: {  	s7 =	smul.u32 @!p0 $0xF7A, s2;
	p2 =	seq.s32 @!p0 s5, $0x0  }
0x1f: {  	s9 =	smul.u32 $0xF7A, s1;
	s8 =	simm.s32 @!p0 $0x1BF5;
	p2 =	por !p2, p0  }
0x20: {  	[sflag:s8] =	ssyncset.s32 @!p0 $0xFFFFF086;
	s6 =	sadd.s32 @!p0 s3, s7;
	s7 =	simm.s32 @!p0 $0x108  }
0x21: {  	s3 =	sadd.s32 s3, s9;
	s6 =	sadd.s32 @!p0 $0x88, s6;
	s7 =	simm.s32 @p2 $0x1082  }
0x22: {  	[simem:s7], [sflag:s8] =	dma.local @!p0 [hbm:s6], $0xF7A  }
0x23: {  	s9 =	sor.u32 $0xD0000000, s2;
	s6 =	simm.s32 $0x108;
	_ =	swait.ge @!p0 [sflag:s8], $0x0  }
0x24: {  	s3 =	sadd.s32 $0x88, s3;
	s6 =	simm.s32 @!p1 $0x1082;
	[sflag:s4] =	ssyncset.s32 $0xFFFFF086  }
0x25: {  	[simem:s6], [sflag:s4] =	dma.local [hbm:s3], $0xF7A  }
0x26: {  	[smem:$0x3F97] =	sst s1;
	(tag) =	ssettag s2;
	_ =	strace s9  }
0x27: {  	s1 =	sld [smem:$0x3FA7]  }
0x28: {  	s2 =	sld [smem:$0x3FA8]  }
0x29: {  	s4 =	sld [smem:$0x3FAA]  }
0x2a: {  	p0 =	seq.s32 s5, $0x0;
	s5 =	sld [smem:$0x3FAB]  }
0x2b: {  	s6 =	sld [smem:$0x3FAC]  }
0x2c: {  	s7 =	sld [smem:$0x3FAD]  }
0x2d: {  	s3 =	simm.s32 $0x108;
	s8 =	sld [smem:$0x3FAE]  }
0x2e: {  	s3 =	simm.s32 @!p0 $0x1082;
	s9 =	sld [smem:$0x3FAF]  }
0x2f: {  	lr =	sadd.s32 s0, s3;
	s0 =	sld [smem:$0x3FA6]  }
0x30: {  	s3 =	sld [smem:$0x3FA9]  }
0x31: {  	[smem:$0x3FB2] =	sst s10  }
0x32: {  	s10 =	sld [smem:$0x3FB0];
	_ =	sdelay $0x3  }
0x33: {  	p0 =	seq.s32 s10, $0x1;
	s10 =	sld [smem:$0x3FB2];
	_ =	sdelay $0x3  }
0x34: {  	[smem:$0x3FB2] =	sst s10  }
0x35: {  	s10 =	sld [smem:$0x3FB1];
	_ =	sdelay $0x3  }
0x36: {  	p1 =	seq.s32 s10, $0x1;
	s10 =	sld [smem:$0x3FB2];
	_ =	sdelay $0x3  }
0x37: {  	[smem:$0x3FB2] =	sst s10  }
0x38: {  	s10 =	sld [smem:$0x3FB3]  }
0x39: {  	_ = 	snop;
	(pc) =	sbr.ind lr, $3  }
0x3a: {  	_ = 	snop  }
0x3b: {  	_ = 	snop  }
0x3c: {  	p2 =	seq.s32 s10, $0x1;
	s10 =	sld [smem:$0x3FB2]  }
0x3d: {  	_ =	shalt  }
0x3e: {  	_ =	shalt  }
0x3f: {  	_ =	shalt  }
0x40: {  	_ =	shalt  }
0x41: {  	_ =	shalt  }
0x42: {  	_ =	shalt  }
0x43: {  	_ =	shalt  }
0x44: {  	_ =	shalt  }
0x45: {  	_ =	shalt  }
0x46: {  	_ =	shalt  }
0x47: {  	_ =	shalt  }
0x48: {  	_ =	shalt  }
0x49: {  	_ =	shalt  }
0x4a: {  	_ =	shalt  }
0x4b: {  	_ =	shalt  }
0x4c: {  	_ =	shalt  }
0x4d: {  	_ =	shalt  }
0x4e: {  	_ =	shalt  }
0x4f: {  	_ =	shalt  }
0x50: {  	_ =	shalt  }
0x51: {  	_ =	shalt  }
0x52: {  	_ =	shalt  }
0x53: {  	_ =	shalt  }
0x54: {  	_ =	shalt  }
0x55: {  	_ =	shalt  }
0x56: {  	_ =	shalt  }
0x57: {  	_ =	shalt  }
0x58: {  	_ =	shalt  }
0x59: {  	_ =	shalt  }
0x5a: {  	_ =	shalt  }
0x5b: {  	_ =	shalt  }
0x5c: {  	_ =	shalt  }
0x5d: {  	_ =	shalt  }
0x5e: {  	_ =	shalt  }
0x5f: {  	_ =	shalt  }
0x60: {  	_ =	shalt  }
0x61: {  	_ =	shalt  }
0x62: {  	_ =	shalt  }
0x63: {  	_ =	shalt  }
0x64: {  	_ =	shalt  }
0x65: {  	_ =	shalt  }
0x66: {  	_ =	shalt  }
0x67: {  	_ =	shalt  }
0x68: {  	_ =	shalt  }
0x69: {  	_ =	shalt  }
0x6a: {  	_ =	shalt  }
0x6b: {  	_ =	shalt  }
0x6c: {  	_ =	shalt  }
0x6d: {  	_ =	shalt  }
0x6e: {  	_ =	shalt  }
0x6f: {  	_ =	shalt  }
0x70: {  	_ =	shalt  }
0x71: {  	_ =	shalt  }
0x72: {  	_ =	shalt  }
0x73: {  	_ =	shalt  }
0x74: {  	_ =	shalt  }
0x75: {  	_ =	shalt  }
0x76: {  	_ =	shalt  }
0x77: {  	_ =	shalt  }
0x78: {  	_ =	shalt  }
0x79: {  	_ =	shalt  }
0x7a: {  	_ =	shalt  }
0x7b: {  	_ =	shalt  }
0x7c: {  	_ =	shalt  }
0x7d: {  	_ =	shalt  }
0x7e: {  	_ =	shalt  }
0x7f: {  	_ =	shalt  }
0x80: {  	_ =	shalt  }
0x81: {  	_ =	shalt  }
0x82: {  	_ =	shalt  }
0x83: {  	_ =	shalt  }
0x84: {  	_ =	shalt  }
0x85: {  	_ =	shalt  }
0x86: {  	_ =	shalt  }
0x87: {  	_ =	shalt  }
.Lfunc_end0:
.L_simem_size_0:
called_computation_lowered:
.L_overlay_start_0:
0x88: {  	s2 =	sld [smem:$0x3FD9]  }
0x89: {  	s3 =	sld [smem:$0x3FFE];
	_ =	sdelay $0x1  }
0x8a: {  	s1 =	srdreg.scid  }
0x8b: {  	s0 =	sand.u32 $0x1, s1  }
0x8c: {  	s17 =	sshll.u32 s0, $0xA;
	s2 =	sadd.s32 s3, s2  }
0x8d: {  	s2 =	sadd.s32 s2, s17  }
0x8e: {  	[smem:$0x3FBE] =	sst s2  }
0x8f: {  	_ = 	snop  }
0x90: {  	s2 =	sld [smem:$0x3FD0];
	(tm) =	ssettm $0x1  }
0x91: {  	s18 =	sld [smem:$0x3FFB];
	_ =	sdelay $0x3  }
0x92: {  	_ =	strace s18  }
0x93: {  	s3 =	sld [smem:$0x3FFC];
	_ =	sdelay $0x3  }
0x94: {  	_ =	strace s3  }
0x95: {  	s3 =	sld [smem:$0x3FFD];
	_ =	sdelay $0x3  }
0x96: {  	_ =	strace s3  }
0x97: {  	_ =	strace $0x8FFFFFFF  }
0x98: {  	s19 =	sld [smem:$0x3FDB];
	_ =	sdelay $0x1  }
0x99: {  	s4 =	simm.s32 $_scs_section_size  }
0x9a: {  	s5 =	simm.s32 $_size__tile_overlayer_lowered;
	s6 =	simm.s32 $_tile_overlayer_lowered  }
0x9b: {  	s22 =	simm.s32 $0x1BFF;
	s21 =	sshll.u32 s6, $0x1;
	s3 =	sadd.s32 s4, s19  }
0x9c: {  	s7 =	simm.s32 $0x0;
	s20 =	sshll.u32 s5, $0x1;
	s5 =	sadd.s32 s21, s3  }
0x9d: {  	[timem:s7], [sflag:s22] =	dma.local [hbm:s5], s20  }
0x9e: {  	_ =	swait.ge [sflag:s22], s20  }
0x9f: {  	s4 =	ssub.s32 $0x0, s20;
	[sflag:s22] =	ssyncset.done $0x0  }
0xa0: {  	[sflag:s22] =	ssyncadd.s32 s4;
	_ =	sdelay $0x1  }
0xa1: {  	s23 =	simm.s32 $0x1B8B  }
0xa2: {  	_ =	swait.ge [sflag:s23], $0x1  }
0xa3: {  	[sflag:s23] =	ssyncset.done $0x0  }
0xa4: {  	s25 =	simm.s32 $0x1B8E;
	s24 =	sld [smem:$0x3FFE];
	[sflag:s23] =	ssyncadd.s32 $0xFFFFFFFF  }
0xa5: {  	s26 =	simm.s32 $execute0_lowered;
	[smem:$0x3FD2] =	sst s25  }
0xa6: {  	s5 =	sshll.u32 s26, $0x1;
	_ =	strace $0x80000046;
	[dreg:$0x1] =	wrdreg $0xFFFFFFFF  }
0xa7: {  	s28 =	simm.s32 $_size_execute0_lowered;
	s3 =	sadd.s32 s3, s5;
	[dreg:$0x0] =	wrdreg $0x0  }
0xa8: {  	s5 =	sshll.u32 s28, $0x1;
	[dreg:$0x2] =	wrdreg s3  }
0xa9: {  	[dreg:$0x3] =	wrdreg s5  }
0xaa: {  	[dreg:$0x4] =	wrdreg $0xC0  }
0xab: {  	_ =	task [dreg:s7], $0x5FFFF  }
0xac: {  	[dreg:$0x1] =	wrdreg $0xFFFFFFFF  }
0xad: {  	[dreg:$0x0] =	wrdreg $0x60  }
0xae: {  	[dreg:$0x2] =	wrdreg s2  }
0xaf: {  	[dreg:$0x3] =	wrdreg s24  }
0xb0: {  	[dreg:$0x4] =	wrdreg $0x9  }
0xb1: {  	_ =	task.clear_ibuf [dreg:s7], $0x5FFFF;
	_ =	strace $0x90000046  }
0xb2: {  	s29 =	simm.s32 $0x9;
	_ =	strace $0x80000048  }
0xb3: {  	_ =	swait.ge [sflag:s29], $0x1  }
0xb4: {  	[sflag:s29] =	ssyncadd.s32 $0xFFFFFFFF  }
0xb5: {  	_ =	strace $0x90000048  }
0xb6: {  	_ =	sfence  }
0xb7: {  	s30 =	sld [smem:$0x0];
	_ =	sdelay $0x2  }
0xb8: {  	s31 =	sshll.u32 s1, $0xD;
	s1 =	sshrl.u32 s1, $0x2  }
0xb9: {  	s3 =	sand.u32 $0x4000, s31;
	s1 =	sadd.s32 s1, s30  }
0xba: {  	s0 =	sor.u32 s3, s0;
	s1 =	sshll.u32 s1, $0x11  }
0xbb: {  	s0 =	sor.u32 s1, s0  }
0xbc: {  	s0 =	sadd.s32 $0x8F2B, s0  }
0xbd: {  	[sflag:s0] =	ssyncadd.remote.s32 $0x1  }
0xbe: {  	_ =	sfence.sel $0xFFFF  }
0xbf: {  	[dreg:$0x0] =	wrdreg $0xFFFFFFFF;
	(pc) =	sbr.abs _section_cstart, $3  }
0xc0: {  	[dreg:$0x1] =	wrdreg $0xFFFFFFFF  }
0xc1: {  	_ =	task.clear_ibuf [dreg:s7], $0x2FFFF;
	_ =	strace $0x9FFFFFFF  }
0xc2: {  	(tm) =	ssettm $0x7FFFFFFF  }
0xc3: {  	_ =	shalt  }
tec
execute0_lowered:
.L_overlay_start_1:
0x0: {  	(tag) =	ssettag $0x1  }
0x1: {  	s1 =	srdreg.scid;
	s5 =	rddreg [dreg:$0x0]  }
0x2: {  	s0 =	stileid.u32;
	s8 =	rddreg [dreg:$0x1]  }
0x3: {  	s17 =	simm.s32 $0x7200;
	s18 =	simm.s32 $0x80;
	s19 =	simm.s32 $0x5200  }
0x4: {  	s20 =	simm.s32 $0x9200;
	s21 =	simm.s32 $0x1;
	s22 =	simm.s32 $0x3  }
0x5: {  	s23 =	simm.s32 $0x40;
	s28 =	simm.s32 $0x3180;
	s26 =	smul.u32 $0x190000, s0  }
0x6: {  	s29 =	simm.s32 $0x0;
	s1 =	sand.u32 $0x1, s1;
	s15 =	smul.u32 $0x32000, s0  }
0x7: {  	s2 =	sshll.u32 s0, $0x1;
	s4 =	sadd.s32 $0x189A00, s8;
	s31 =	smul.u32 $0xC8000, s1  }
0x8: {  	s7 =	sor.u32 s1, s2;
	s10 =	ssub.s32 $0x2, s1;
	s1 =	smul.u32 $0x19000, s1  }
0x9: {  	s12 =	sadd.s32 $0x310600, s8;
	s2 =	simm.s32 $0x0;
	s3 =	smul.u32 $0x1900, s7  }
0xa: {  	s14 =	sadd.s32 $0x310608, s8;
	[smem:$0x7FF] =	sst s2;
	s24 =	smul.u32 $0xC8000, s7  }
0xb: {  	s11 =	sshrl.u32 s10, $0x1;
	s13 =	smul.u32 $0x19000, s7;
	s15 =	sadd.s32 s15, s12  }
0xc: {  	_ =	strace $0x80000047;
	s10 =	ssub.s32 s10, s11;
	s11 =	sadd.s32 s31, s26  }
0xd: {  	s6 =	sshrl.u32 s3, $0x3;
	s3 =	sadd.s32 $0x24D000, s8;
	s25 =	sshrl.u32 s24, $0x3  }
0xe: {  	s7 =	smax.u32 s10, $0x1;
	s13 =	sadd.s32 $0x18800, s13;
	s16 =	sshrl.u32 s11, $0x3  }
0xf: {  	s24 =	simm.s32 $0x2;
	s9 =	sadd.s32 s6, s8;
	s5 =	sadd.s32 s5, s6  }
0x10: {  	s30 =	sadd.s32 $0x18000, s25;
	s10 =	sadd.s32 s12, s13;
	s11 =	sadd.s32 s13, s14  }
0x11: {  	s13 =	sadd.s32 s1, s15;
	s15 =	simm.s32 $0x1900;
	s25 =	simm.s32 $0x4  }
0x12: {  	s6 =	sadd.s32 $0x3000, s9;
	s8 =	sadd.s32 s12, s30;
	s9 =	sadd.s32 s30, s14  }
0x13: {  	s12 =	sadd.s32 s16, s12;
	s14 =	simm.s32 $0x5;
	s16 =	simm.s32 $0x3200  }
.LBB2_1:
0x14: {  	[tilespmem:s2], [sflag:$0x5] =	stream.linear.gather [hbm4b:s5+s2], $0x1900, $0x38;
	[tilespmem:$0xB200] =	vst v63  }
0x15: {  	_ =	swait.ge [sflag:s14], $0x1900  }
0x16: {  	[sflag:s14] =	ssyncset.done $0x0  }
0x17: {  	[sflag:s14] =	ssyncadd.s32 $0xFFFFE700  }
0x18: {  	[tilespmem:s15], [sflag:$0x5] =	stream.linear.gather [hbm4b:s6+s2], $0x1900, $0x38;
	[tilespmem:$0xB200] =	vst v63  }
0x19: {  	_ =	swait.ge [sflag:s14], $0x1900  }
0x1a: {  	[sflag:s14] =	ssyncset.done $0x0  }
0x1b: {  	[sflag:s14] =	ssyncadd.s32 $0xFFFFE700  }
0x1c: {  	[tilespmem:s16], [sflag:$0x1] =	stream.indirect.gather [hbm4b:s3+s18], $0x40, s2, s18, $0xb8;
	[tilespmem:$0xB200] =	vst v63  }
0x1d: {  	_ = 	snop  }
0x1e: {  	[tilespmem:s17], [sflag:$0x3] =	stream.indirect.gather [hbm4b:s4+s18], $0x40, s15, s18, $0xb8;
	[tilespmem:$0xB200] =	vst v63  }
0x1f: {  	_ = 	snop  }
0x20: {  	[tilespmem:s19], [sflag:$0x2] =	stream.indirect.gather [hbm4b:s3+s18], $0x40, s18, s18, $0xb8;
	[tilespmem:$0xB200] =	vst v63  }
0x21: {  	s30 =	simm.s32 $0x1980  }
0x22: {  	[tilespmem:s20], [sflag:$0x4] =	stream.indirect.gather [hbm4b:s4+s18], $0x40, s30, s18, $0xb8;
	[tilespmem:$0xB200] =	vst v63  }
0x23: {  	_ =	swait.ge [sflag:s21], $0x2000  }
0x24: {  	[sflag:s21] =	ssyncset.done $0x0  }
0x25: {  	[sflag:s21] =	ssyncadd.s32 $0xFFFFE000  }
0x26: {  	_ =	swait.ge [sflag:s22], $0x2000  }
0x27: {  	[sflag:s22] =	ssyncset.done $0x0  }
0x28: {  	s1 =	sadd.s32 $0x0, s12;
	[sflag:s22] =	ssyncadd.s32 $0xFFFFE000  }
0x29: {  	[hbm4b:s1+s23] =	stream.strided.scatter [tilespmem:s16], [sflag:$0x5], $0x2000, s18, s23, $0x38;
	[tilespmem:$0xB200] =	vst v63  }
0x2a: {  	_ =	swait.ge [sflag:s14], $0x2000  }
0x2b: {  	[sflag:s14] =	ssyncset.done $0x0  }
0x2c: {  	s1 =	sadd.s32 $0x8, s1;
	[sflag:s14] =	ssyncadd.s32 $0xFFFFE000  }
0x2d: {  	[hbm4b:s1+s23] =	stream.strided.scatter [tilespmem:s17], [sflag:$0x5], $0x2000, s18, s23, $0x38;
	[tilespmem:$0xB200] =	vst v63  }
0x2e: {  	_ =	swait.ge [sflag:s14], $0x2000  }
0x2f: {  	[sflag:s14] =	ssyncset.done $0x0  }
0x30: {  	s26 =	simm.s32 $0x100;
	[sflag:s14] =	ssyncadd.s32 $0xFFFFE000  }
0x31: {  	[tilespmem:s16], [sflag:$0x1] =	stream.indirect.gather [hbm4b:s3+s18], $0x40, s26, s18, $0xb8;
	[tilespmem:$0xB200] =	vst v63  }
0x32: {  	s0 =	simm.s32 $0x1A00  }
0x33: {  	[tilespmem:s17], [sflag:$0x3] =	stream.indirect.gather [hbm4b:s4+s18], $0x40, s0, s18, $0xb8;
	[tilespmem:$0xB200] =	vst v63  }
0x34: {  	_ =	swait.ge [sflag:s24], $0x2000  }
0x35: {  	[sflag:s24] =	ssyncset.done $0x0  }
0x36: {  	[sflag:s24] =	ssyncadd.s32 $0xFFFFE000  }
0x37: {  	_ =	swait.ge [sflag:s25], $0x2000  }
0x38: {  	s26 =	sadd.s32 $0x0, s13;
	[sflag:s25] =	ssyncset.done $0x0  }
0x39: {  	s31 =	sadd.s32 $0x800, s26;
	[sflag:s25] =	ssyncadd.s32 $0xFFFFE000  }
0x3a: {  	[hbm4b:s31+s23] =	stream.strided.scatter [tilespmem:s19], [sflag:$0x5], $0x2000, s18, s23, $0x38;
	[tilespmem:$0xB200] =	vst v63  }
0x3b: {  	_ =	swait.ge [sflag:s14], $0x2000  }
0x3c: {  	[sflag:s14] =	ssyncset.done $0x0  }
0x3d: {  	s1 =	sadd.s32 $0x808, s26;
	[sflag:s14] =	ssyncadd.s32 $0xFFFFE000  }
0x3e: {  	[hbm4b:s1+s23] =	stream.strided.scatter [tilespmem:s20], [sflag:$0x5], $0x2000, s18, s23, $0x38;
	[tilespmem:$0xB200] =	vst v63  }
0x3f: {  	_ =	swait.ge [sflag:s14], $0x2000  }
0x40: {  	s31 =	simm.s32 $0x1000;
	s1 =	simm.s32 $0x80;
	[sflag:s14] =	ssyncset.done $0x0  }
.LBB2_2:
0x41: {  	[sflag:s14] =	ssyncadd.s32 $0xFFFFE000;
	s30 =	sadd.s32 $0x100, s30;
	s1 =	sadd.s32 $0x100, s1  }
0x42: {  	[tilespmem:s19], [sflag:$0x2] =	stream.indirect.gather [hbm4b:s3+s18], $0x40, s1, s18, $0xb8;
	[tilespmem:$0xB200] =	vst v63  }
0x43: {  	p0 =	sne.s32 s31, $0x17000;
	s0 =	smov.u32 s31;
	s31 =	sadd.s32 $0x1000, s31  }
0x44: {  	[tilespmem:s20], [sflag:$0x4] =	stream.indirect.gather [hbm4b:s4+s18], $0x40, s30, s18, $0xb8;
	[tilespmem:$0xB200] =	vst v63  }
0x45: {  	_ =	swait.ge [sflag:s21], $0x2000  }
0x46: {  	[sflag:s21] =	ssyncset.done $0x0  }
0x47: {  	[sflag:s21] =	ssyncadd.s32 $0xFFFFE000  }
0x48: {  	_ =	swait.ge [sflag:s22], $0x2000  }
0x49: {  	[sflag:s22] =	ssyncset.done $0x0  }
0x4a: {  	s26 =	sadd.s32 s0, s12;
	[sflag:s22] =	ssyncadd.s32 $0xFFFFE000  }
0x4b: {  	[hbm4b:s26+s23] =	stream.strided.scatter [tilespmem:s16], [sflag:$0x5], $0x2000, s18, s23, $0x38;
	[tilespmem:$0xB200] =	vst v63  }
0x4c: {  	_ =	swait.ge [sflag:s14], $0x2000  }
0x4d: {  	[sflag:s14] =	ssyncset.done $0x0  }
0x4e: {  	s26 =	sadd.s32 $0x8, s26;
	[sflag:s14] =	ssyncadd.s32 $0xFFFFE000  }
0x4f: {  	[hbm4b:s26+s23] =	stream.strided.scatter [tilespmem:s17], [sflag:$0x5], $0x2000, s18, s23, $0x38;
	[tilespmem:$0xB200] =	vst v63  }
0x50: {  	_ =	swait.ge [sflag:s14], $0x2000  }
0x51: {  	[sflag:s14] =	ssyncset.done $0x0  }
0x52: {  	s26 =	sadd.s32 $0x80, s1;
	[sflag:s14] =	ssyncadd.s32 $0xFFFFE000  }
0x53: {  	[tilespmem:s16], [sflag:$0x1] =	stream.indirect.gather [hbm4b:s3+s18], $0x40, s26, s18, $0xb8;
	[tilespmem:$0xB200] =	vst v63  }
0x54: {  	s26 =	sadd.s32 $0x80, s30  }
0x55: {  	[tilespmem:s17], [sflag:$0x3] =	stream.indirect.gather [hbm4b:s4+s18], $0x40, s26, s18, $0xb8;
	[tilespmem:$0xB200] =	vst v63  }
0x56: {  	_ =	swait.ge [sflag:s24], $0x2000  }
0x57: {  	[sflag:s24] =	ssyncset.done $0x0  }
0x58: {  	[sflag:s24] =	ssyncadd.s32 $0xFFFFE000  }
0x59: {  	_ =	swait.ge [sflag:s25], $0x2000  }
0x5a: {  	s0 =	sadd.s32 s0, s13;
	[sflag:s25] =	ssyncset.done $0x0  }
0x5b: {  	s26 =	sadd.s32 $0x800, s0;
	[sflag:s25] =	ssyncadd.s32 $0xFFFFE000  }
0x5c: {  	[hbm4b:s26+s23] =	stream.strided.scatter [tilespmem:s19], [sflag:$0x5], $0x2000, s18, s23, $0x38;
	[tilespmem:$0xB200] =	vst v63  }
0x5d: {  	_ =	swait.ge [sflag:s14], $0x2000  }
.Ltmp0:
0x5e: {  	[sflag:s14] =	ssyncset.done $0x0;
	(pc) =	sbr.rel @p0 .LBB2_2-.Ltmp0, $4  }
0x5f: {  	s0 =	sadd.s32 $0x808, s0;
	[sflag:s14] =	ssyncadd.s32 $0xFFFFE000  }
0x60: {  	[hbm4b:s0+s23] =	stream.strided.scatter [tilespmem:s20], [sflag:$0x5], $0x2000, s18, s23, $0x38;
	[tilespmem:$0xB200] =	vst v63  }
0x61: {  	_ =	swait.ge [sflag:s14], $0x2000  }
0x62: {  	[sflag:s14] =	ssyncset.done $0x0  }
0x63: {  	[sflag:s14] =	ssyncadd.s32 $0xFFFFE000;
	s0 =	simm.s32 $0x1880  }
0x64: {  	[tilespmem:s19], [sflag:$0x2] =	stream.indirect.gather [hbm4b:s3+s18], $0x40, s0, s18, $0xb8;
	[tilespmem:$0xB200] =	vst v63  }
0x65: {  	_ = 	snop  }
0x66: {  	[tilespmem:s20], [sflag:$0x4] =	stream.indirect.gather [hbm4b:s4+s18], $0x40, s28, s18, $0xb8;
	[tilespmem:$0xB200] =	vst v63  }
0x67: {  	_ =	swait.ge [sflag:s21], $0x2000  }
0x68: {  	[sflag:s21] =	ssyncset.done $0x0  }
0x69: {  	[sflag:s21] =	ssyncadd.s32 $0xFFFFE000  }
0x6a: {  	_ =	swait.ge [sflag:s22], $0x2000  }
0x6b: {  	[sflag:s22] =	ssyncset.done $0x0  }
0x6c: {  	[sflag:s22] =	ssyncadd.s32 $0xFFFFE000  }
0x6d: {  	[hbm4b:s8+s23] =	stream.strided.scatter [tilespmem:s16], [sflag:$0x5], $0x2000, s18, s23, $0x38;
	[tilespmem:$0xB200] =	vst v63  }
0x6e: {  	_ =	swait.ge [sflag:s14], $0x2000  }
0x6f: {  	[sflag:s14] =	ssyncset.done $0x0  }
0x70: {  	[sflag:s14] =	ssyncadd.s32 $0xFFFFE000  }
0x71: {  	[hbm4b:s9+s23] =	stream.strided.scatter [tilespmem:s17], [sflag:$0x5], $0x2000, s18, s23, $0x38;
	[tilespmem:$0xB200] =	vst v63  }
0x72: {  	_ =	swait.ge [sflag:s14], $0x2000  }
0x73: {  	[sflag:s14] =	ssyncset.done $0x0  }
0x74: {  	[sflag:s14] =	ssyncadd.s32 $0xFFFFE000  }
0x75: {  	_ =	swait.ge [sflag:s24], $0x2000  }
0x76: {  	[sflag:s24] =	ssyncset.done $0x0  }
0x77: {  	[sflag:s24] =	ssyncadd.s32 $0xFFFFE000  }
0x78: {  	_ =	swait.ge [sflag:s25], $0x2000  }
0x79: {  	[sflag:s25] =	ssyncset.done $0x0  }
0x7a: {  	[sflag:s25] =	ssyncadd.s32 $0xFFFFE000  }
0x7b: {  	[hbm4b:s10+s23] =	stream.strided.scatter [tilespmem:s19], [sflag:$0x5], $0x2000, s18, s23, $0x38;
	[tilespmem:$0xB200] =	vst v63  }
0x7c: {  	s29 =	sadd.s32 $0x1, s29;
	_ =	swait.ge [sflag:s14], $0x2000  }
0x7d: {  	p0 =	sne.s32 s29, s7;
	[sflag:s14] =	ssyncset.done $0x0  }
.Ltmp1:
0x7e: {  	[sflag:s14] =	ssyncadd.s32 $0xFFFFE000;
	(pc) =	sbr.rel @p0 .LBB2_1-.Ltmp1, $4  }
0x7f: {  	[hbm4b:s11+s23] =	stream.strided.scatter [tilespmem:s20], [sflag:$0x5], $0x2000, s18, s23, $0x38;
	[tilespmem:$0xB200] =	vst v63  }
0x80: {  	_ =	swait.ge [sflag:s14], $0x2000  }
0x81: {  	[sflag:s14] =	ssyncset.done $0x0  }
0x82: {  	[sflag:s14] =	ssyncadd.s32 $0xFFFFE000  }
0x83: {  	_ =	sfence.sel $0x180000  }
0x84: {  	[bflag:$0x0] =	sbarrier.arrive $0xFFFF  }
0x85: {  	_ =	strace $0x90000047  }
0x86: {  	s0 =	stileid.u32;
	[bflag:$0x2] =	sbarrier.arrive $0xFFFF  }
0x87: {  	p0 =	sne.s32 s0, $0x0;
	s0 =	rddreg [dreg:$0x2]  }
0x88: {  	s0 =	sadd.s32 @!p0 $0x100000, s0  }
0x89: {  	[sflag:s0] =	ssyncadd.tile.s32 @!p0 $0x1;
	_ =	shalt  }
.Lfunc_end2:
_tile_overlayer_lowered:
.L_overlay_start_2:
0x8a: {  	(tag) =	ssettag $0x2  }
0x8b: {  	s0 =	rddreg [dreg:$0x0];
	s2 =	stileid.u32  }
0x8c: {  	s1 =	rddreg [dreg:$0x1];
	p0 =	sne.s32 s2, $0x0  }
0x8d: {  	s3 =	rddreg [dreg:$0x2];
	[bflag:$0x3] =	sbarrier.arrive $0xFFFF;
	s2 =	simm.s32 @!p0 $0x1C05  }
0x8e: {  	[timem:s3], [sflag:s2] =	dma.local @!p0 [hbm:s0], s1  }
0x8f: {  	s0 =	simm.s32 @!p0 $0x5  }
0x90: {  	_ =	swait.ge @!p0 [sflag:s0], s1  }
0x91: {  	s1 =	ssub.s32 @!p0 $0x0, s1;
	[sflag:s0] =	ssyncset.done @!p0 $0x0  }
0x92: {  	[sflag:s0] =	ssyncadd.s32 @!p0 s1  }
0x93: {  	[bflag:$0x3] =	sbarrier.arrive $0xFFFF  }
0x94: {  	_ =	shalt  }

</sc_bundles>
